<compile_context>
chip_gen: v7x
topology: tpu7x:2x2x1
jax: 0.10.2.dev20260603
libtpu: 0.0.44.dev20260713+nightly
codegen_flags: <defaults>
</compile_context>

<pallas_src>
import functools

import jax
import jax.numpy as jnp
from jax import lax
from jax.experimental import pallas as pl
from jax.experimental.pallas import tpu as pltpu
from jax.experimental.pallas import tpu_sc as plsc

B = 16384
V = 49
VP = 64
DE = 3
C = 4
DO = 3
L = 16
NW = 32
BW = B // NW
TW = 512
WPW = BW // 128 * TW

_mesh = plsc.VectorSubcoreMesh(core_axis_name="c", subcore_axis_name="s")


@functools.partial(
    pl.kernel,
    out_type=(
        jax.ShapeDtypeStruct((B // 128 * TW,), jnp.float32),
        jax.ShapeDtypeStruct((B // 128 * TW,), jnp.float32),
    ),
    mesh=_mesh,
    compiler_params=pltpu.CompilerParams(
        needs_layout_passes=False, use_tc_tiling_on_sc=False
    ),
    scratch_types=[
        pltpu.VMEM((WPW,), jnp.int32),
        pltpu.VMEM((BW,), jnp.int32),
        pltpu.VMEM((208,), jnp.float32),
        pltpu.VMEM((C * DO * VP,), jnp.float32),
        pltpu.VMEM((WPW,), jnp.float32),
        pltpu.VMEM((WPW,), jnp.float32),
        pltpu.SemaphoreType.DMA,
        pltpu.SemaphoreType.DMA,
    ],
)
def _cbow_sc(xp_hbm, x1_hbm, p_hbm, yp_hbm, y1p_hbm,
             x_v, x1_v, p_v, t_v, yp_v, y1p_v, sem_in, sem_out):
    embt_v = p_v
    WOFF = 152
    nc = _mesh.num_cores
    wid = lax.axis_index("s") * nc + lax.axis_index("c")

    small_copies = [
        pltpu.async_copy(p_hbm, p_v.at[pl.ds(0, 192)], sem_in),
    ]
    big_copies = [
        pltpu.async_copy(xp_hbm.at[pl.ds(wid * WPW, WPW)], x_v, sem_in),
        pltpu.async_copy(x1_hbm.at[pl.ds(wid * BW, BW)], x1_v, sem_in),
    ]
    for cp in small_copies:
        cp.wait()

    iota = lax.iota(jnp.int32, L)
    b_vec = p_v[pl.ds(176, L)]

    @plsc.parallel_loop(0, VP // L)
    def t_build(vg):
        vv = vg * L + iota
        e = [plsc.load_gather(embt_v, [vv + d * V]) for d in range(DE)]

        @plsc.parallel_loop(0, C * DO)
        def t_cj(cj):
            widx = WOFF + (cj % DO) * 12 + (cj // DO) * DE
            zero = jnp.full((L,), 0, jnp.int32)
            acc = e[0] * plsc.load_gather(p_v, [zero + widx])
            acc = acc + e[1] * plsc.load_gather(p_v, [zero + (widx + 1)])
            acc = acc + e[2] * plsc.load_gather(p_v, [zero + (widx + 2)])
            t_v[pl.ds(cj * VP + vg * L, L)] = acc

    for cp in big_copies:
        cp.wait()

    bj = [b_vec[12 + j] for j in range(DO)]

    @plsc.parallel_loop(0, BW // L, unroll=2)
    def group(gg):
        go = (gg >> 3) * TW + (gg & 7) * L
        xoff = gg * L
        xc = [x_v[pl.ds(go + c * 128, L)] for c in range(C)]
        for j in range(DO):
            acc = plsc.load_gather(t_v, [xc[0] + (j * VP)]) + bj[j]
            for c in range(1, C):
                acc = acc + plsc.load_gather(
                    t_v, [xc[c] + ((c * DO + j) * VP)])
            yp_v[pl.ds(go + j * 128, L)] = acc
        x1c = x1_v[pl.ds(xoff, L)]
        for j in range(DE):
            y1p_v[pl.ds(go + j * 128, L)] = plsc.load_gather(
                embt_v, [x1c + j * V]
            )

    out_copies = [
        pltpu.async_copy(yp_v, yp_hbm.at[pl.ds(wid * WPW, WPW)], sem_out),
        pltpu.async_copy(y1p_v, y1p_hbm.at[pl.ds(wid * WPW, WPW)], sem_out),
    ]
    for cp in out_copies:
        cp.wait()


def _unphys(flat):
    return flat.reshape(B // 128, 4, 128).transpose(0, 2, 1).reshape(B, 4)[:, :DO]


def kernel(x, x1, emb, W, b):
    xp = x.astype(jnp.int32).reshape(B // 128, 128, 4).transpose(0, 2, 1).reshape(-1)
    packed = jnp.concatenate(
        [emb.T.reshape(-1), jnp.zeros((5,), jnp.float32), W.reshape(-1), b,
         jnp.zeros((1,), jnp.float32)]
    )
    yp, y1p = _cbow_sc(xp, x1.astype(jnp.int32), packed)
    return (_unphys(yp), _unphys(y1p))

# --- scband reference (transcript-rebuilt; emitter-appended) ---
"""Pipeline reference for scband-cbow-37417755083641 (READ-ONLY COPY).

The authoritative reference and input builder live on the scoring server;
editing this copy changes nothing except your own understanding.
"""

import jax, jax.numpy as jnp
import numpy as np

def setup_inputs(seed: int = 0) -> dict:
    key = jax.random.key(seed)
    k1, k2, k3, k4, k5 = jax.random.split(key, 5)
    x = jax.random.randint(k1, (16384, 4), 0, 49, dtype=jnp.int64)
    x1 = jax.random.randint(k2, (16384,), 0, 49, dtype=jnp.int64)
    emb = jax.random.normal(k3, (49, 3), dtype=jnp.float32)
    W = jax.random.normal(k4, (3, 12), dtype=jnp.float32) * (1.0 / np.sqrt(12.0))
    b = jax.random.normal(k5, (3,), dtype=jnp.float32) * 0.01
    return {"x": x, "x1": x1, "emb": emb, "W": W, "b": b}

def reference(x, x1, emb, W, b):
    e = jnp.take(emb, x, axis=0)          # [B, 4, 3]
    e = e.reshape(-1, 12)                 # [B, 12]
    y = e @ W.T + b                       # [B, 3]
    y1 = jnp.take(emb, x1, axis=0)        # [B, 3]
    return (y, y1)

if __name__ == "__main__":
    import jax
    _d = setup_inputs()
    print(jax.jit(kernel)(*tuple(_d.values())))

</pallas_src>

<mosaic_0001>
#map = affine_map<(d0, d1) -> (0)>
module attributes {stable_mosaic.version = 14 : i64} {
  func.func @_cbow_sc(%arg0: i32, %arg1: i32, %arg2: memref<65536xi32, #tpu.memory_space<hbm>>, %arg3: memref<16384xi32, #tpu.memory_space<hbm>>, %arg4: memref<192xf32, #tpu.memory_space<hbm>>, %arg5: memref<65536xf32, #tpu.memory_space<hbm>>, %arg6: memref<65536xf32, #tpu.memory_space<hbm>>, %arg7: memref<2048xi32, #tpu.memory_space<vmem>>, %arg8: memref<512xi32, #tpu.memory_space<vmem>>, %arg9: memref<208xf32, #tpu.memory_space<vmem>>, %arg10: memref<768xf32, #tpu.memory_space<vmem>>, %arg11: memref<2048xf32, #tpu.memory_space<vmem>>, %arg12: memref<2048xf32, #tpu.memory_space<vmem>>, %arg13: memref<!tpu.dma_semaphore, #tpu.memory_space<semaphore_mem>>, %arg14: memref<!tpu.dma_semaphore, #tpu.memory_space<semaphore_mem>>) attributes {dimension_semantics = [#tpu.dimension_semantics<core_parallel>, #tpu.dimension_semantics<subcore_parallel>], iteration_bounds = array<i64: 2, 16>, scalar_prefetch = 0 : i64, scratch_operands = 8 : i64, tpu.core_type = #tpu.core_type<sc_vector_subcore>, window_params = [{transform_indices = #map}, {transform_indices = #map}, {transform_indices = #map}, {transform_indices = #map}, {transform_indices = #map}]} {
    %mul3A = arith.constant 2 : i32
    %mul3A_0 = arith.muli %arg1, %mul3A : i32
    %add3A = arith.addi %mul3A_0, %arg0 : i32
    %dma_start3A = arith.constant 0 : i32
    %dma_start3A_1 = tpu.memref_slice %arg9[%dma_start3A] : memref<208xf32, #tpu.memory_space<vmem>> -> memref<192xf32, #tpu.memory_space<vmem>>
    %dma_start3A_2 = arith.constant 0 : i32
    %dma_start3A_3 = tpu.memref_slice %arg9[%dma_start3A_2] : memref<208xf32, #tpu.memory_space<vmem>> -> memref<192xf32, #tpu.memory_space<vmem>>
    tpu.enqueue_dma source(%arg4 : memref<192xf32, #tpu.memory_space<hbm>>) target(%dma_start3A_3 : memref<192xf32, #tpu.memory_space<vmem>>) target_semaphore(%arg13 : memref<!tpu.dma_semaphore, #tpu.memory_space<semaphore_mem>>)
    %mul3A_4 = arith.constant 2048 : i32
    %mul3A_5 = arith.muli %add3A, %mul3A_4 : i32
    %dma_start3A_6 = tpu.memref_slice %arg2[%mul3A_5] : memref<65536xi32, #tpu.memory_space<hbm>> -> memref<2048xi32, #tpu.memory_space<hbm>>
    %dma_start3A_7 = tpu.memref_slice %arg2[%mul3A_5] : memref<65536xi32, #tpu.memory_space<hbm>> -> memref<2048xi32, #tpu.memory_space<hbm>>
    tpu.enqueue_dma source(%dma_start3A_7 : memref<2048xi32, #tpu.memory_space<hbm>>) target(%arg7 : memref<2048xi32, #tpu.memory_space<vmem>>) target_semaphore(%arg13 : memref<!tpu.dma_semaphore, #tpu.memory_space<semaphore_mem>>)
    %mul3A_8 = arith.constant 512 : i32
    %mul3A_9 = arith.muli %add3A, %mul3A_8 : i32
    %dma_start3A_10 = tpu.memref_slice %arg3[%mul3A_9] : memref<16384xi32, #tpu.memory_space<hbm>> -> memref<512xi32, #tpu.memory_space<hbm>>
    %dma_start3A_11 = tpu.memref_slice %arg3[%mul3A_9] : memref<16384xi32, #tpu.memory_space<hbm>> -> memref<512xi32, #tpu.memory_space<hbm>>
    tpu.enqueue_dma source(%dma_start3A_11 : memref<512xi32, #tpu.memory_space<hbm>>) target(%arg8 : memref<512xi32, #tpu.memory_space<vmem>>) target_semaphore(%arg13 : memref<!tpu.dma_semaphore, #tpu.memory_space<semaphore_mem>>)
    %dma_wait3A = arith.constant 0 : i32
    %dma_wait3A_12 = tpu.memref_slice %arg9[%dma_wait3A] : memref<208xf32, #tpu.memory_space<vmem>> -> memref<192xf32, #tpu.memory_space<vmem>>
    %dma_wait3A_13 = arith.constant 0 : i32
    %dma_wait3A_14 = tpu.memref_slice %arg9[%dma_wait3A_13] : memref<208xf32, #tpu.memory_space<vmem>> -> memref<192xf32, #tpu.memory_space<vmem>>
    tpu.wait_dma2 semaphore(%arg13 : memref<!tpu.dma_semaphore, #tpu.memory_space<semaphore_mem>>) src(%arg4 : memref<192xf32, #tpu.memory_space<hbm>>) dst(%dma_wait3A_14 : memref<192xf32, #tpu.memory_space<vmem>>)
    %iota3A = tpu.iota {dimensions = array<i32: 0>} : vector<16xi32>
    %get3A = arith.constant 176 : index
    %get3A_15 = tpu.vector_load %arg9[%get3A] {strides = array<i32>} : memref<208xf32, #tpu.memory_space<vmem>>, vector<16xf32>,
    %parallel_loop3A = arith.constant 0 : i32
    %parallel_loop3A_16 = arith.constant 4 : i32
    %parallel_loop3A_17 = arith.constant 1 : i32
    scf.for %parallel_loop3A_41 = %parallel_loop3A to %parallel_loop3A_16 step %parallel_loop3A_17  : i32 {
      %parallel_loop3A_42 = arith.constant 16 : i32
      %parallel_loop3A_43 = arith.muli %parallel_loop3A_41, %parallel_loop3A_42 : i32
      %parallel_loop3A_44 = vector.broadcast %parallel_loop3A_43 : i32 to vector<16xi32>
      %parallel_loop3A_45 = arith.addi %parallel_loop3A_44, %iota3A : vector<16xi32>
      %parallel_loop3A_46 = arith.constant 0 : i32
      %parallel_loop3A_47 = vector.broadcast %parallel_loop3A_46 : i32 to vector<16xi32>
      %parallel_loop3A_48 = arith.addi %parallel_loop3A_45, %parallel_loop3A_47 : vector<16xi32>
      %parallel_loop3A_49 = tpu.vector_load_idx %arg9[%parallel_loop3A_48] : memref<208xf32, #tpu.memory_space<vmem>>[vector<16xi32>], vector<16xf32>,
      %parallel_loop3A_50 = arith.constant 49 : i32
      %parallel_loop3A_51 = vector.broadcast %parallel_loop3A_50 : i32 to vector<16xi32>
      %parallel_loop3A_52 = arith.addi %parallel_loop3A_45, %parallel_loop3A_51 : vector<16xi32>
      %parallel_loop3A_53 = tpu.vector_load_idx %arg9[%parallel_loop3A_52] : memref<208xf32, #tpu.memory_space<vmem>>[vector<16xi32>], vector<16xf32>,
      %parallel_loop3A_54 = arith.constant 98 : i32
      %parallel_loop3A_55 = vector.broadcast %parallel_loop3A_54 : i32 to vector<16xi32>
      %parallel_loop3A_56 = arith.addi %parallel_loop3A_45, %parallel_loop3A_55 : vector<16xi32>
      %parallel_loop3A_57 = tpu.vector_load_idx %arg9[%parallel_loop3A_56] : memref<208xf32, #tpu.memory_space<vmem>>[vector<16xi32>], vector<16xf32>,
      %parallel_loop3A_58 = arith.constant 0 : i32
      %parallel_loop3A_59 = arith.constant 12 : i32
      %parallel_loop3A_60 = arith.constant 1 : i32
      scf.for %parallel_loop3A_61 = %parallel_loop3A_58 to %parallel_loop3A_59 step %parallel_loop3A_60  : i32 {
        %parallel_loop3A_62 = arith.constant 3 : i32
        %parallel_loop3A_63 = arith.constant 0 : i32
        %parallel_loop3A_64 = arith.cmpi eq, %parallel_loop3A_62, %parallel_loop3A_63 : i32
        %parallel_loop3A_65 = arith.constant 1 : i32
        %parallel_loop3A_66 = arith.select %parallel_loop3A_64, %parallel_loop3A_65, %parallel_loop3A_62 : i32
        %parallel_loop3A_67 = arith.remsi %parallel_loop3A_61, %parallel_loop3A_66 : i32
        %parallel_loop3A_68 = arith.constant 0 : i32
        %parallel_loop3A_69 = arith.cmpi ne, %parallel_loop3A_67, %parallel_loop3A_68 : i32
        %parallel_loop3A_70 = arith.constant 0 : i32
        %parallel_loop3A_71 = arith.cmpi slt, %parallel_loop3A_67, %parallel_loop3A_70 : i32
        %parallel_loop3A_72 = arith.constant 0 : i32
        %parallel_loop3A_73 = arith.cmpi slt, %parallel_loop3A_66, %parallel_loop3A_72 : i32
        %parallel_loop3A_74 = arith.xori %parallel_loop3A_71, %parallel_loop3A_73 : i1
        %parallel_loop3A_75 = arith.andi %parallel_loop3A_74, %parallel_loop3A_69 : i1
        %parallel_loop3A_76 = arith.addi %parallel_loop3A_67, %parallel_loop3A_66 : i32
        %parallel_loop3A_77 = arith.select %parallel_loop3A_75, %parallel_loop3A_76, %parallel_loop3A_67 : i32
        %parallel_loop3A_78 = arith.constant 12 : i32
        %parallel_loop3A_79 = arith.muli %parallel_loop3A_77, %parallel_loop3A_78 : i32
        %parallel_loop3A_80 = arith.constant 152 : i32
        %parallel_loop3A_81 = arith.addi %parallel_loop3A_80, %parallel_loop3A_79 : i32
        %parallel_loop3A_82 = arith.constant 3 : i32
        %parallel_loop3A_83 = arith.divsi %parallel_loop3A_61, %parallel_loop3A_82 : i32
        %parallel_loop3A_84 = arith.constant 0 : i32
        %parallel_loop3A_85 = arith.cmpi sgt, %parallel_loop3A_61, %parallel_loop3A_84 : i32
        %parallel_loop3A_86 = arith.extui %parallel_loop3A_85 : i1 to i32
        %parallel_loop3A_87 = arith.constant 0 : i32
        %parallel_loop3A_88 = arith.cmpi slt, %parallel_loop3A_61, %parallel_loop3A_87 : i32
        %parallel_loop3A_89 = arith.extui %parallel_loop3A_88 : i1 to i32
        %parallel_loop3A_90 = arith.subi %parallel_loop3A_86, %parallel_loop3A_89 : i32
        %parallel_loop3A_91 = arith.constant 0 : i32
        %parallel_loop3A_92 = arith.cmpi sgt, %parallel_loop3A_82, %parallel_loop3A_91 : i32
        %parallel_loop3A_93 = arith.extui %parallel_loop3A_92 : i1 to i32
        %parallel_loop3A_94 = arith.constant 0 : i32
        %parallel_loop3A_95 = arith.cmpi slt, %parallel_loop3A_82, %parallel_loop3A_94 : i32
        %parallel_loop3A_96 = arith.extui %parallel_loop3A_95 : i1 to i32
        %parallel_loop3A_97 = arith.subi %parallel_loop3A_93, %parallel_loop3A_96 : i32
        %parallel_loop3A_98 = arith.cmpi ne, %parallel_loop3A_90, %parallel_loop3A_97 : i32
        %parallel_loop3A_99 = arith.remsi %parallel_loop3A_61, %parallel_loop3A_82 : i32
        %parallel_loop3A_100 = arith.constant 0 : i32
        %parallel_loop3A_101 = arith.cmpi ne, %parallel_loop3A_99, %parallel_loop3A_100 : i32
        %parallel_loop3A_102 = arith.andi %parallel_loop3A_98, %parallel_loop3A_101 : i1
        %parallel_loop3A_103 = arith.constant 1 : i32
        %parallel_loop3A_104 = arith.subi %parallel_loop3A_83, %parallel_loop3A_103 : i32
        %parallel_loop3A_105 = arith.select %parallel_loop3A_102, %parallel_loop3A_104, %parallel_loop3A_83 : i32
        %parallel_loop3A_106 = arith.constant 3 : i32
        %parallel_loop3A_107 = arith.muli %parallel_loop3A_105, %parallel_loop3A_106 : i32
        %parallel_loop3A_108 = arith.addi %parallel_loop3A_81, %parallel_loop3A_107 : i32
        %parallel_loop3A_109 = arith.constant 0 : i32
        %parallel_loop3A_110 = vector.broadcast %parallel_loop3A_109 : i32 to vector<16xi32>
        %parallel_loop3A_111 = vector.broadcast %parallel_loop3A_108 : i32 to vector<16xi32>
        %parallel_loop3A_112 = arith.addi %parallel_loop3A_110, %parallel_loop3A_111 : vector<16xi32>
        %parallel_loop3A_113 = tpu.vector_load_idx %arg9[%parallel_loop3A_112] : memref<208xf32, #tpu.memory_space<vmem>>[vector<16xi32>], vector<16xf32>,
        %parallel_loop3A_114 = arith.mulf %parallel_loop3A_49, %parallel_loop3A_113 : vector<16xf32>
        %parallel_loop3A_115 = arith.constant 1 : i32
        %parallel_loop3A_116 = arith.addi %parallel_loop3A_108, %parallel_loop3A_115 : i32
        %parallel_loop3A_117 = vector.broadcast %parallel_loop3A_116 : i32 to vector<16xi32>
        %parallel_loop3A_118 = arith.addi %parallel_loop3A_110, %parallel_loop3A_117 : vector<16xi32>
        %parallel_loop3A_119 = tpu.vector_load_idx %arg9[%parallel_loop3A_118] : memref<208xf32, #tpu.memory_space<vmem>>[vector<16xi32>], vector<16xf32>,
        %parallel_loop3A_120 = arith.mulf %parallel_loop3A_53, %parallel_loop3A_119 : vector<16xf32>
        %parallel_loop3A_121 = arith.addf %parallel_loop3A_114, %parallel_loop3A_120 : vector<16xf32>
        %parallel_loop3A_122 = arith.constant 2 : i32
        %parallel_loop3A_123 = arith.addi %parallel_loop3A_108, %parallel_loop3A_122 : i32
        %parallel_loop3A_124 = vector.broadcast %parallel_loop3A_123 : i32 to vector<16xi32>
        %parallel_loop3A_125 = arith.addi %parallel_loop3A_110, %parallel_loop3A_124 : vector<16xi32>
        %parallel_loop3A_126 = tpu.vector_load_idx %arg9[%parallel_loop3A_125] : memref<208xf32, #tpu.memory_space<vmem>>[vector<16xi32>], vector<16xf32>,
        %parallel_loop3A_127 = arith.mulf %parallel_loop3A_57, %parallel_loop3A_126 : vector<16xf32>
        %parallel_loop3A_128 = arith.addf %parallel_loop3A_121, %parallel_loop3A_127 : vector<16xf32>
        %parallel_loop3A_129 = arith.constant 64 : i32
        %parallel_loop3A_130 = arith.muli %parallel_loop3A_61, %parallel_loop3A_129 : i32
        %parallel_loop3A_131 = arith.constant 16 : i32
        %parallel_loop3A_132 = arith.muli %parallel_loop3A_41, %parallel_loop3A_131 : i32
        %parallel_loop3A_133 = arith.addi %parallel_loop3A_130, %parallel_loop3A_132 : i32
        %parallel_loop3A_134 = arith.index_cast %parallel_loop3A_133 : i32 to index
        %parallel_loop3A_135 = tpu.vector_load %arg10[%parallel_loop3A_134] {strides = array<i32>} : memref<768xf32, #tpu.memory_space<vmem>>, vector<16xf32>,
        tpu.vector_store %arg10[%parallel_loop3A_134], %parallel_loop3A_128 {strides = array<i32>} : memref<768xf32, #tpu.memory_space<vmem>>, vector<16xf32>,
      } {sc.loop_unroll_factor = 1 : i64, sc.parallel_access}
    } {sc.loop_unroll_factor = 1 : i64, sc.parallel_access}
    %dma_wait3A_18 = tpu.memref_slice %arg2[%mul3A_5] : memref<65536xi32, #tpu.memory_space<hbm>> -> memref<2048xi32, #tpu.memory_space<hbm>>
    %dma_wait3A_19 = tpu.memref_slice %arg2[%mul3A_5] : memref<65536xi32, #tpu.memory_space<hbm>> -> memref<2048xi32, #tpu.memory_space<hbm>>
    tpu.wait_dma2 semaphore(%arg13 : memref<!tpu.dma_semaphore, #tpu.memory_space<semaphore_mem>>) src(%dma_wait3A_19 : memref<2048xi32, #tpu.memory_space<hbm>>) dst(%arg7 : memref<2048xi32, #tpu.memory_space<vmem>>)
    %dma_wait3A_20 = tpu.memref_slice %arg3[%mul3A_9] : memref<16384xi32, #tpu.memory_space<hbm>> -> memref<512xi32, #tpu.memory_space<hbm>>
    %dma_wait3A_21 = tpu.memref_slice %arg3[%mul3A_9] : memref<16384xi32, #tpu.memory_space<hbm>> -> memref<512xi32, #tpu.memory_space<hbm>>
    tpu.wait_dma2 semaphore(%arg13 : memref<!tpu.dma_semaphore, #tpu.memory_space<semaphore_mem>>) src(%dma_wait3A_21 : memref<512xi32, #tpu.memory_space<hbm>>) dst(%arg8 : memref<512xi32, #tpu.memory_space<vmem>>)
    %slice3A = vector.extract_strided_slice %get3A_15 {offsets = [12], sizes = [1], strides = [1]} : vector<16xf32> to vector<1xf32>
    %squeeze3A = vector.extract %slice3A[0] : f32 from vector<1xf32>
    %slice3A_22 = vector.extract_strided_slice %get3A_15 {offsets = [13], sizes = [1], strides = [1]} : vector<16xf32> to vector<1xf32>
    %squeeze3A_23 = vector.extract %slice3A_22[0] : f32 from vector<1xf32>
    %slice3A_24 = vector.extract_strided_slice %get3A_15 {offsets = [14], sizes = [1], strides = [1]} : vector<16xf32> to vector<1xf32>
    %squeeze3A_25 = vector.extract %slice3A_24[0] : f32 from vector<1xf32>
    %parallel_loop3A_26 = arith.constant 0 : i32
    %parallel_loop3A_27 = arith.constant 32 : i32
    %parallel_loop3A_28 = arith.constant 1 : i32
    scf.for %parallel_loop3A_41 = %parallel_loop3A_26 to %parallel_loop3A_27 step %parallel_loop3A_28  : i32 {
      %parallel_loop3A_42 = arith.constant 3 : i32
      %parallel_loop3A_43 = arith.shrsi %parallel_loop3A_41, %parallel_loop3A_42 : i32
      %parallel_loop3A_44 = arith.constant 512 : i32
      %parallel_loop3A_45 = arith.muli %parallel_loop3A_43, %parallel_loop3A_44 : i32
      %parallel_loop3A_46 = arith.constant 7 : i32
      %parallel_loop3A_47 = arith.andi %parallel_loop3A_41, %parallel_loop3A_46 : i32
      %parallel_loop3A_48 = arith.constant 16 : i32
      %parallel_loop3A_49 = arith.muli %parallel_loop3A_47, %parallel_loop3A_48 : i32
      %parallel_loop3A_50 = arith.addi %parallel_loop3A_45, %parallel_loop3A_49 : i32
      %parallel_loop3A_51 = arith.constant 16 : i32
      %parallel_loop3A_52 = arith.muli %parallel_loop3A_41, %parallel_loop3A_51 : i32
      %parallel_loop3A_53 = arith.constant 0 : i32
      %parallel_loop3A_54 = arith.addi %parallel_loop3A_50, %parallel_loop3A_53 : i32
      %parallel_loop3A_55 = arith.index_cast %parallel_loop3A_54 : i32 to index
      %parallel_loop3A_56 = tpu.vector_load %arg7[%parallel_loop3A_55] {strides = array<i32>} : memref<2048xi32, #tpu.memory_space<vmem>>, vector<16xi32>,
      %parallel_loop3A_57 = arith.constant 128 : i32
      %parallel_loop3A_58 = arith.addi %parallel_loop3A_50, %parallel_loop3A_57 : i32
      %parallel_loop3A_59 = arith.index_cast %parallel_loop3A_58 : i32 to index
      %parallel_loop3A_60 = tpu.vector_load %arg7[%parallel_loop3A_59] {strides = array<i32>} : memref<2048xi32, #tpu.memory_space<vmem>>, vector<16xi32>,
      %parallel_loop3A_61 = arith.constant 256 : i32
      %parallel_loop3A_62 = arith.addi %parallel_loop3A_50, %parallel_loop3A_61 : i32
      %parallel_loop3A_63 = arith.index_cast %parallel_loop3A_62 : i32 to index
      %parallel_loop3A_64 = tpu.vector_load %arg7[%parallel_loop3A_63] {strides = array<i32>} : memref<2048xi32, #tpu.memory_space<vmem>>, vector<16xi32>,
      %parallel_loop3A_65 = arith.constant 384 : i32
      %parallel_loop3A_66 = arith.addi %parallel_loop3A_50, %parallel_loop3A_65 : i32
      %parallel_loop3A_67 = arith.index_cast %parallel_loop3A_66 : i32 to index
      %parallel_loop3A_68 = tpu.vector_load %arg7[%parallel_loop3A_67] {strides = array<i32>} : memref<2048xi32, #tpu.memory_space<vmem>>, vector<16xi32>,
      %parallel_loop3A_69 = arith.constant 0 : i32
      %parallel_loop3A_70 = vector.broadcast %parallel_loop3A_69 : i32 to vector<16xi32>
      %parallel_loop3A_71 = arith.addi %parallel_loop3A_56, %parallel_loop3A_70 : vector<16xi32>
      %parallel_loop3A_72 = tpu.vector_load_idx %arg10[%parallel_loop3A_71] : memref<768xf32, #tpu.memory_space<vmem>>[vector<16xi32>], vector<16xf32>,
      %parallel_loop3A_73 = vector.broadcast %squeeze3A : f32 to vector<16xf32>
      %parallel_loop3A_74 = arith.addf %parallel_loop3A_72, %parallel_loop3A_73 : vector<16xf32>
      %parallel_loop3A_75 = arith.constant 192 : i32
      %parallel_loop3A_76 = vector.broadcast %parallel_loop3A_75 : i32 to vector<16xi32>
      %parallel_loop3A_77 = arith.addi %parallel_loop3A_60, %parallel_loop3A_76 : vector<16xi32>
      %parallel_loop3A_78 = tpu.vector_load_idx %arg10[%parallel_loop3A_77] : memref<768xf32, #tpu.memory_space<vmem>>[vector<16xi32>], vector<16xf32>,
      %parallel_loop3A_79 = arith.addf %parallel_loop3A_74, %parallel_loop3A_78 : vector<16xf32>
      %parallel_loop3A_80 = arith.constant 384 : i32
      %parallel_loop3A_81 = vector.broadcast %parallel_loop3A_80 : i32 to vector<16xi32>
      %parallel_loop3A_82 = arith.addi %parallel_loop3A_64, %parallel_loop3A_81 : vector<16xi32>
      %parallel_loop3A_83 = tpu.vector_load_idx %arg10[%parallel_loop3A_82] : memref<768xf32, #tpu.memory_space<vmem>>[vector<16xi32>], vector<16xf32>,
      %parallel_loop3A_84 = arith.addf %parallel_loop3A_79, %parallel_loop3A_83 : vector<16xf32>
      %parallel_loop3A_85 = arith.constant 576 : i32
      %parallel_loop3A_86 = vector.broadcast %parallel_loop3A_85 : i32 to vector<16xi32>
      %parallel_loop3A_87 = arith.addi %parallel_loop3A_68, %parallel_loop3A_86 : vector<16xi32>
      %parallel_loop3A_88 = tpu.vector_load_idx %arg10[%parallel_loop3A_87] : memref<768xf32, #tpu.memory_space<vmem>>[vector<16xi32>], vector<16xf32>,
      %parallel_loop3A_89 = arith.addf %parallel_loop3A_84, %parallel_loop3A_88 : vector<16xf32>
      %parallel_loop3A_90 = arith.constant 0 : i32
      %parallel_loop3A_91 = arith.addi %parallel_loop3A_50, %parallel_loop3A_90 : i32
      %parallel_loop3A_92 = arith.index_cast %parallel_loop3A_91 : i32 to index
      %parallel_loop3A_93 = tpu.vector_load %arg11[%parallel_loop3A_92] {strides = array<i32>} : memref<2048xf32, #tpu.memory_space<vmem>>, vector<16xf32>,
      tpu.vector_store %arg11[%parallel_loop3A_92], %parallel_loop3A_89 {strides = array<i32>} : memref<2048xf32, #tpu.memory_space<vmem>>, vector<16xf32>,
      %parallel_loop3A_94 = arith.constant 64 : i32
      %parallel_loop3A_95 = vector.broadcast %parallel_loop3A_94 : i32 to vector<16xi32>
      %parallel_loop3A_96 = arith.addi %parallel_loop3A_56, %parallel_loop3A_95 : vector<16xi32>
      %parallel_loop3A_97 = tpu.vector_load_idx %arg10[%parallel_loop3A_96] : memref<768xf32, #tpu.memory_space<vmem>>[vector<16xi32>], vector<16xf32>,
      %parallel_loop3A_98 = vector.broadcast %squeeze3A_23 : f32 to vector<16xf32>
      %parallel_loop3A_99 = arith.addf %parallel_loop3A_97, %parallel_loop3A_98 : vector<16xf32>
      %parallel_loop3A_100 = arith.constant 256 : i32
      %parallel_loop3A_101 = vector.broadcast %parallel_loop3A_100 : i32 to vector<16xi32>
      %parallel_loop3A_102 = arith.addi %parallel_loop3A_60, %parallel_loop3A_101 : vector<16xi32>
      %parallel_loop3A_103 = tpu.vector_load_idx %arg10[%parallel_loop3A_102] : memref<768xf32, #tpu.memory_space<vmem>>[vector<16xi32>], vector<16xf32>,
      %parallel_loop3A_104 = arith.addf %parallel_loop3A_99, %parallel_loop3A_103 : vector<16xf32>
      %parallel_loop3A_105 = arith.constant 448 : i32
      %parallel_loop3A_106 = vector.broadcast %parallel_loop3A_105 : i32 to vector<16xi32>
      %parallel_loop3A_107 = arith.addi %parallel_loop3A_64, %parallel_loop3A_106 : vector<16xi32>
      %parallel_loop3A_108 = tpu.vector_load_idx %arg10[%parallel_loop3A_107] : memref<768xf32, #tpu.memory_space<vmem>>[vector<16xi32>], vector<16xf32>,
      %parallel_loop3A_109 = arith.addf %parallel_loop3A_104, %parallel_loop3A_108 : vector<16xf32>
      %parallel_loop3A_110 = arith.constant 640 : i32
      %parallel_loop3A_111 = vector.broadcast %parallel_loop3A_110 : i32 to vector<16xi32>
      %parallel_loop3A_112 = arith.addi %parallel_loop3A_68, %parallel_loop3A_111 : vector<16xi32>
      %parallel_loop3A_113 = tpu.vector_load_idx %arg10[%parallel_loop3A_112] : memref<768xf32, #tpu.memory_space<vmem>>[vector<16xi32>], vector<16xf32>,
      %parallel_loop3A_114 = arith.addf %parallel_loop3A_109, %parallel_loop3A_113 : vector<16xf32>
      %parallel_loop3A_115 = arith.constant 128 : i32
      %parallel_loop3A_116 = arith.addi %parallel_loop3A_50, %parallel_loop3A_115 : i32
      %parallel_loop3A_117 = arith.index_cast %parallel_loop3A_116 : i32 to index
      %parallel_loop3A_118 = tpu.vector_load %arg11[%parallel_loop3A_117] {strides = array<i32>} : memref<2048xf32, #tpu.memory_space<vmem>>, vector<16xf32>,
      tpu.vector_store %arg11[%parallel_loop3A_117], %parallel_loop3A_114 {strides = array<i32>} : memref<2048xf32, #tpu.memory_space<vmem>>, vector<16xf32>,
      %parallel_loop3A_119 = arith.constant 128 : i32
      %parallel_loop3A_120 = vector.broadcast %parallel_loop3A_119 : i32 to vector<16xi32>
      %parallel_loop3A_121 = arith.addi %parallel_loop3A_56, %parallel_loop3A_120 : vector<16xi32>
      %parallel_loop3A_122 = tpu.vector_load_idx %arg10[%parallel_loop3A_121] : memref<768xf32, #tpu.memory_space<vmem>>[vector<16xi32>], vector<16xf32>,
      %parallel_loop3A_123 = vector.broadcast %squeeze3A_25 : f32 to vector<16xf32>
      %parallel_loop3A_124 = arith.addf %parallel_loop3A_122, %parallel_loop3A_123 : vector<16xf32>
      %parallel_loop3A_125 = arith.constant 320 : i32
      %parallel_loop3A_126 = vector.broadcast %parallel_loop3A_125 : i32 to vector<16xi32>
      %parallel_loop3A_127 = arith.addi %parallel_loop3A_60, %parallel_loop3A_126 : vector<16xi32>
      %parallel_loop3A_128 = tpu.vector_load_idx %arg10[%parallel_loop3A_127] : memref<768xf32, #tpu.memory_space<vmem>>[vector<16xi32>], vector<16xf32>,
      %parallel_loop3A_129 = arith.addf %parallel_loop3A_124, %parallel_loop3A_128 : vector<16xf32>
      %parallel_loop3A_130 = arith.constant 512 : i32
      %parallel_loop3A_131 = vector.broadcast %parallel_loop3A_130 : i32 to vector<16xi32>
      %parallel_loop3A_132 = arith.addi %parallel_loop3A_64, %parallel_loop3A_131 : vector<16xi32>
      %parallel_loop3A_133 = tpu.vector_load_idx %arg10[%parallel_loop3A_132] : memref<768xf32, #tpu.memory_space<vmem>>[vector<16xi32>], vector<16xf32>,
      %parallel_loop3A_134 = arith.addf %parallel_loop3A_129, %parallel_loop3A_133 : vector<16xf32>
      %parallel_loop3A_135 = arith.constant 704 : i32
      %parallel_loop3A_136 = vector.broadcast %parallel_loop3A_135 : i32 to vector<16xi32>
      %parallel_loop3A_137 = arith.addi %parallel_loop3A_68, %parallel_loop3A_136 : vector<16xi32>
      %parallel_loop3A_138 = tpu.vector_load_idx %arg10[%parallel_loop3A_137] : memref<768xf32, #tpu.memory_space<vmem>>[vector<16xi32>], vector<16xf32>,
      %parallel_loop3A_139 = arith.addf %parallel_loop3A_134, %parallel_loop3A_138 : vector<16xf32>
      %parallel_loop3A_140 = arith.constant 256 : i32
      %parallel_loop3A_141 = arith.addi %parallel_loop3A_50, %parallel_loop3A_140 : i32
      %parallel_loop3A_142 = arith.index_cast %parallel_loop3A_141 : i32 to index
      %parallel_loop3A_143 = tpu.vector_load %arg11[%parallel_loop3A_142] {strides = array<i32>} : memref<2048xf32, #tpu.memory_space<vmem>>, vector<16xf32>,
      tpu.vector_store %arg11[%parallel_loop3A_142], %parallel_loop3A_139 {strides = array<i32>} : memref<2048xf32, #tpu.memory_space<vmem>>, vector<16xf32>,
      %parallel_loop3A_144 = arith.index_cast %parallel_loop3A_52 : i32 to index
      %parallel_loop3A_145 = tpu.vector_load %arg8[%parallel_loop3A_144] {strides = array<i32>} : memref<512xi32, #tpu.memory_space<vmem>>, vector<16xi32>,
      %parallel_loop3A_146 = arith.constant 0 : i32
      %parallel_loop3A_147 = vector.broadcast %parallel_loop3A_146 : i32 to vector<16xi32>
      %parallel_loop3A_148 = arith.addi %parallel_loop3A_145, %parallel_loop3A_147 : vector<16xi32>
      %parallel_loop3A_149 = tpu.vector_load_idx %arg9[%parallel_loop3A_148] : memref<208xf32, #tpu.memory_space<vmem>>[vector<16xi32>], vector<16xf32>,
      %parallel_loop3A_150 = arith.constant 0 : i32
      %parallel_loop3A_151 = arith.addi %parallel_loop3A_50, %parallel_loop3A_150 : i32
      %parallel_loop3A_152 = arith.index_cast %parallel_loop3A_151 : i32 to index
      %parallel_loop3A_153 = tpu.vector_load %arg12[%parallel_loop3A_152] {strides = array<i32>} : memref<2048xf32, #tpu.memory_space<vmem>>, vector<16xf32>,
      tpu.vector_store %arg12[%parallel_loop3A_152], %parallel_loop3A_149 {strides = array<i32>} : memref<2048xf32, #tpu.memory_space<vmem>>, vector<16xf32>,
      %parallel_loop3A_154 = arith.constant 49 : i32
      %parallel_loop3A_155 = vector.broadcast %parallel_loop3A_154 : i32 to vector<16xi32>
      %parallel_loop3A_156 = arith.addi %parallel_loop3A_145, %parallel_loop3A_155 : vector<16xi32>
      %parallel_loop3A_157 = tpu.vector_load_idx %arg9[%parallel_loop3A_156] : memref<208xf32, #tpu.memory_space<vmem>>[vector<16xi32>], vector<16xf32>,
      %parallel_loop3A_158 = arith.constant 128 : i32
      %parallel_loop3A_159 = arith.addi %parallel_loop3A_50, %parallel_loop3A_158 : i32
      %parallel_loop3A_160 = arith.index_cast %parallel_loop3A_159 : i32 to index
      %parallel_loop3A_161 = tpu.vector_load %arg12[%parallel_loop3A_160] {strides = array<i32>} : memref<2048xf32, #tpu.memory_space<vmem>>, vector<16xf32>,
      tpu.vector_store %arg12[%parallel_loop3A_160], %parallel_loop3A_157 {strides = array<i32>} : memref<2048xf32, #tpu.memory_space<vmem>>, vector<16xf32>,
      %parallel_loop3A_162 = arith.constant 98 : i32
      %parallel_loop3A_163 = vector.broadcast %parallel_loop3A_162 : i32 to vector<16xi32>
      %parallel_loop3A_164 = arith.addi %parallel_loop3A_145, %parallel_loop3A_163 : vector<16xi32>
      %parallel_loop3A_165 = tpu.vector_load_idx %arg9[%parallel_loop3A_164] : memref<208xf32, #tpu.memory_space<vmem>>[vector<16xi32>], vector<16xf32>,
      %parallel_loop3A_166 = arith.constant 256 : i32
      %parallel_loop3A_167 = arith.addi %parallel_loop3A_50, %parallel_loop3A_166 : i32
      %parallel_loop3A_168 = arith.index_cast %parallel_loop3A_167 : i32 to index
      %parallel_loop3A_169 = tpu.vector_load %arg12[%parallel_loop3A_168] {strides = array<i32>} : memref<2048xf32, #tpu.memory_space<vmem>>, vector<16xf32>,
      tpu.vector_store %arg12[%parallel_loop3A_168], %parallel_loop3A_165 {strides = array<i32>} : memref<2048xf32, #tpu.memory_space<vmem>>, vector<16xf32>,
    } {sc.loop_unroll_factor = 2 : i64, sc.parallel_access}
    %mul3A_29 = arith.constant 2048 : i32
    %mul3A_30 = arith.muli %add3A, %mul3A_29 : i32
    %dma_start3A_31 = tpu.memref_slice %arg5[%mul3A_30] : memref<65536xf32, #tpu.memory_space<hbm>> -> memref<2048xf32, #tpu.memory_space<hbm>>
    %dma_start3A_32 = tpu.memref_slice %arg5[%mul3A_30] : memref<65536xf32, #tpu.memory_space<hbm>> -> memref<2048xf32, #tpu.memory_space<hbm>>
    tpu.enqueue_dma source(%arg11 : memref<2048xf32, #tpu.memory_space<vmem>>) target(%dma_start3A_32 : memref<2048xf32, #tpu.memory_space<hbm>>) target_semaphore(%arg14 : memref<!tpu.dma_semaphore, #tpu.memory_space<semaphore_mem>>)
    %mul3A_33 = arith.constant 2048 : i32
    %mul3A_34 = arith.muli %add3A, %mul3A_33 : i32
    %dma_start3A_35 = tpu.memref_slice %arg6[%mul3A_34] : memref<65536xf32, #tpu.memory_space<hbm>> -> memref<2048xf32, #tpu.memory_space<hbm>>
    %dma_start3A_36 = tpu.memref_slice %arg6[%mul3A_34] : memref<65536xf32, #tpu.memory_space<hbm>> -> memref<2048xf32, #tpu.memory_space<hbm>>
    tpu.enqueue_dma source(%arg12 : memref<2048xf32, #tpu.memory_space<vmem>>) target(%dma_start3A_36 : memref<2048xf32, #tpu.memory_space<hbm>>) target_semaphore(%arg14 : memref<!tpu.dma_semaphore, #tpu.memory_space<semaphore_mem>>)
    %dma_wait3A_37 = tpu.memref_slice %arg5[%mul3A_30] : memref<65536xf32, #tpu.memory_space<hbm>> -> memref<2048xf32, #tpu.memory_space<hbm>>
    %dma_wait3A_38 = tpu.memref_slice %arg5[%mul3A_30] : memref<65536xf32, #tpu.memory_space<hbm>> -> memref<2048xf32, #tpu.memory_space<hbm>>
    tpu.wait_dma2 semaphore(%arg14 : memref<!tpu.dma_semaphore, #tpu.memory_space<semaphore_mem>>) src(%arg11 : memref<2048xf32, #tpu.memory_space<vmem>>) dst(%dma_wait3A_38 : memref<2048xf32, #tpu.memory_space<hbm>>)
    %dma_wait3A_39 = tpu.memref_slice %arg6[%mul3A_34] : memref<65536xf32, #tpu.memory_space<hbm>> -> memref<2048xf32, #tpu.memory_space<hbm>>
    %dma_wait3A_40 = tpu.memref_slice %arg6[%mul3A_34] : memref<65536xf32, #tpu.memory_space<hbm>> -> memref<2048xf32, #tpu.memory_space<hbm>>
    tpu.wait_dma2 semaphore(%arg14 : memref<!tpu.dma_semaphore, #tpu.memory_space<semaphore_mem>>) src(%arg12 : memref<2048xf32, #tpu.memory_space<vmem>>) dst(%dma_wait3A_40 : memref<2048xf32, #tpu.memory_space<hbm>>)
    return
  }
}

</mosaic_0001>

<sc_bundles>
// kernel: kernel.3.cloned.1.call-start
scs
__scs_entry_jumppad:
0x0: {  	(pc) =	sbr.rel $0x88, $3  }
0x1: {  	(tag) =	ssettag $0x0;
	lr =	simm.s32 $0x1  }
0x2: {  	[smem:$0x3F9C] =	sst lr;
	_ =	strace $0xD0000000  }
0x3: {  	_ = 	snop  }
0x4: {  	_ = 	snop  }
0x5: {  	_ = 	snop  }
0x6: {  	_ = 	snop  }
0x7: {  	_ = 	snop  }
__scs_overlays_trampoline_lowered:
0x8: {  	[smem:$0x3FAB] =	sst s0  }
0x9: {  	[smem:$0x3FAC] =	sst s1  }
0xa: {  	[smem:$0x3FAD] =	sst s2  }
0xb: {  	[smem:$0x3FAE] =	sst s3  }
0xc: {  	[smem:$0x3FAF] =	sst s4  }
0xd: {  	[smem:$0x3FB0] =	sst s5  }
0xe: {  	[smem:$0x3FB1] =	sst s6  }
0xf: {  	[smem:$0x3FB2] =	sst s7  }
0x10: {  	[smem:$0x3FB3] =	sst s8  }
0x11: {  	[smem:$0x3FB4] =	sst s9;
	s0 =	simm.s32 @!p0 $0x0  }
0x12: {  	s1 =	sld [smem:$0x3F9A];
	s0 =	simm.s32 @p0 $0x1  }
0x13: {  	[smem:$0x3FB5] =	sst s0;
	s0 =	simm.s32 @!p1 $0x0  }
0x14: {  	s2 =	sld [smem:$0x3F99];
	s0 =	simm.s32 @p1 $0x1  }
0x15: {  	[smem:$0x3FB6] =	sst s0;
	s0 =	simm.s32 @!p2 $0x0  }
0x16: {  	s3 =	sld [smem:$0x3FDB];
	s0 =	simm.s32 @p2 $0x1  }
0x17: {  	s4 =	simm.s32 $0x1BF5;
	[smem:$0x3FB8] =	sst s0  }
0x18: {  	s0 =	sld [smem:$0x3F9B];
	_ =	swait.ge [sflag:s4], $0x0  }
0x19: {  	s7 =	sld [smem:$0x3F9C]  }
0x1a: {  	s8 =	sadd.s32 $0xFFFFE003, lr  }
0x1b: {  	s9 =	sadd.s32 $0xFFFFFEF7, lr;
	s5 =	simm.s32 $0xFFFFFFFF;
	p2 =	slt.u32 s8, $0xFFFFF086  }
0x1c: {  	p1 =	slt.u32 s9, $0xF7A;
	s5 =	simm.s32 @!p2 $0x0  }
0x1d: {  	s5 =	simm.s32 @p1 $0x1;
	p0 =	seq.s32 s7, s2  }
0x1e: {  	s7 =	smul.u32 @!p0 $0xF7A, s2;
	p2 =	seq.s32 @!p0 s5, $0x0  }
0x1f: {  	s9 =	smul.u32 $0xF7A, s1;
	s8 =	simm.s32 @!p0 $0x1BF5;
	p2 =	por !p2, p0  }
0x20: {  	[sflag:s8] =	ssyncset.s32 @!p0 $0xFFFFF086;
	s6 =	sadd.s32 @!p0 s3, s7;
	s7 =	simm.s32 @!p0 $0x108  }
0x21: {  	s3 =	sadd.s32 s3, s9;
	s6 =	sadd.s32 @!p0 $0x88, s6;
	s7 =	simm.s32 @p2 $0x1082  }
0x22: {  	[simem:s7], [sflag:s8] =	dma.local @!p0 [hbm:s6], $0xF7A  }
0x23: {  	s9 =	sor.u32 $0xD0000000, s2;
	s6 =	simm.s32 $0x108;
	_ =	swait.ge @!p0 [sflag:s8], $0x0  }
0x24: {  	s3 =	sadd.s32 $0x88, s3;
	s6 =	simm.s32 @!p1 $0x1082;
	[sflag:s4] =	ssyncset.s32 $0xFFFFF086  }
0x25: {  	[simem:s6], [sflag:s4] =	dma.local [hbm:s3], $0xF7A  }
0x26: {  	[smem:$0x3F9C] =	sst s1;
	(tag) =	ssettag s2;
	_ =	strace s9  }
0x27: {  	s1 =	sld [smem:$0x3FAC]  }
0x28: {  	s2 =	sld [smem:$0x3FAD]  }
0x29: {  	s4 =	sld [smem:$0x3FAF]  }
0x2a: {  	p0 =	seq.s32 s5, $0x0;
	s5 =	sld [smem:$0x3FB0]  }
0x2b: {  	s6 =	sld [smem:$0x3FB1]  }
0x2c: {  	s7 =	sld [smem:$0x3FB2]  }
0x2d: {  	s3 =	simm.s32 $0x108;
	s8 =	sld [smem:$0x3FB3]  }
0x2e: {  	s3 =	simm.s32 @!p0 $0x1082;
	s9 =	sld [smem:$0x3FB4]  }
0x2f: {  	lr =	sadd.s32 s0, s3;
	s0 =	sld [smem:$0x3FAB]  }
0x30: {  	s3 =	sld [smem:$0x3FAE]  }
0x31: {  	[smem:$0x3FB7] =	sst s10  }
0x32: {  	s10 =	sld [smem:$0x3FB5];
	_ =	sdelay $0x3  }
0x33: {  	p0 =	seq.s32 s10, $0x1;
	s10 =	sld [smem:$0x3FB7];
	_ =	sdelay $0x3  }
0x34: {  	[smem:$0x3FB7] =	sst s10  }
0x35: {  	s10 =	sld [smem:$0x3FB6];
	_ =	sdelay $0x3  }
0x36: {  	p1 =	seq.s32 s10, $0x1;
	s10 =	sld [smem:$0x3FB7];
	_ =	sdelay $0x3  }
0x37: {  	[smem:$0x3FB7] =	sst s10  }
0x38: {  	s10 =	sld [smem:$0x3FB8]  }
0x39: {  	_ = 	snop;
	(pc) =	sbr.ind lr, $3  }
0x3a: {  	_ = 	snop  }
0x3b: {  	_ = 	snop  }
0x3c: {  	p2 =	seq.s32 s10, $0x1;
	s10 =	sld [smem:$0x3FB7]  }
0x3d: {  	_ =	shalt  }
0x3e: {  	_ =	shalt  }
0x3f: {  	_ =	shalt  }
0x40: {  	_ =	shalt  }
0x41: {  	_ =	shalt  }
0x42: {  	_ =	shalt  }
0x43: {  	_ =	shalt  }
0x44: {  	_ =	shalt  }
0x45: {  	_ =	shalt  }
0x46: {  	_ =	shalt  }
0x47: {  	_ =	shalt  }
0x48: {  	_ =	shalt  }
0x49: {  	_ =	shalt  }
0x4a: {  	_ =	shalt  }
0x4b: {  	_ =	shalt  }
0x4c: {  	_ =	shalt  }
0x4d: {  	_ =	shalt  }
0x4e: {  	_ =	shalt  }
0x4f: {  	_ =	shalt  }
0x50: {  	_ =	shalt  }
0x51: {  	_ =	shalt  }
0x52: {  	_ =	shalt  }
0x53: {  	_ =	shalt  }
0x54: {  	_ =	shalt  }
0x55: {  	_ =	shalt  }
0x56: {  	_ =	shalt  }
0x57: {  	_ =	shalt  }
0x58: {  	_ =	shalt  }
0x59: {  	_ =	shalt  }
0x5a: {  	_ =	shalt  }
0x5b: {  	_ =	shalt  }
0x5c: {  	_ =	shalt  }
0x5d: {  	_ =	shalt  }
0x5e: {  	_ =	shalt  }
0x5f: {  	_ =	shalt  }
0x60: {  	_ =	shalt  }
0x61: {  	_ =	shalt  }
0x62: {  	_ =	shalt  }
0x63: {  	_ =	shalt  }
0x64: {  	_ =	shalt  }
0x65: {  	_ =	shalt  }
0x66: {  	_ =	shalt  }
0x67: {  	_ =	shalt  }
0x68: {  	_ =	shalt  }
0x69: {  	_ =	shalt  }
0x6a: {  	_ =	shalt  }
0x6b: {  	_ =	shalt  }
0x6c: {  	_ =	shalt  }
0x6d: {  	_ =	shalt  }
0x6e: {  	_ =	shalt  }
0x6f: {  	_ =	shalt  }
0x70: {  	_ =	shalt  }
0x71: {  	_ =	shalt  }
0x72: {  	_ =	shalt  }
0x73: {  	_ =	shalt  }
0x74: {  	_ =	shalt  }
0x75: {  	_ =	shalt  }
0x76: {  	_ =	shalt  }
0x77: {  	_ =	shalt  }
0x78: {  	_ =	shalt  }
0x79: {  	_ =	shalt  }
0x7a: {  	_ =	shalt  }
0x7b: {  	_ =	shalt  }
0x7c: {  	_ =	shalt  }
0x7d: {  	_ =	shalt  }
0x7e: {  	_ =	shalt  }
0x7f: {  	_ =	shalt  }
0x80: {  	_ =	shalt  }
0x81: {  	_ =	shalt  }
0x82: {  	_ =	shalt  }
0x83: {  	_ =	shalt  }
0x84: {  	_ =	shalt  }
0x85: {  	_ =	shalt  }
0x86: {  	_ =	shalt  }
0x87: {  	_ =	shalt  }
.Lfunc_end0:
.L_simem_size_0:
called_computation_lowered:
.L_overlay_start_0:
0x88: {  	s2 =	sld [smem:$0x3FD9]  }
0x89: {  	s3 =	sld [smem:$0x3FFE];
	_ =	sdelay $0x1  }
0x8a: {  	s1 =	srdreg.scid  }
0x8b: {  	s0 =	sand.u32 $0x1, s1  }
0x8c: {  	s14 =	sshll.u32 s0, $0xA;
	s2 =	sadd.s32 s3, s2  }
0x8d: {  	s2 =	sadd.s32 s2, s14  }
0x8e: {  	[smem:$0x3FC3] =	sst s2  }
0x8f: {  	_ = 	snop  }
0x90: {  	s2 =	sld [smem:$0x3FD0];
	_ =	sdelay $0x1  }
0x91: {  	s15 =	sld [smem:$0x3FC9]  }
0x92: {  	s5 =	simm.s32 $0xA;
	s6 =	simm.s32 $0x10;
	s4 =	sld [smem:$0x3FC8]  }
0x93: {  	[smem:s6], [sflag:s5] =	dma.local [hbm:s2], $0x1  }
0x94: {  	_ =	swait.eq [sflag:s5], $0x1  }
0x95: {  	[sflag:s5] =	ssyncset.done $0x0  }
0x96: {  	s16 =	sld [smem:$0x10];
	[sflag:s5] =	ssyncadd.s32 $0xFFFFFFFF  }
0x97: {  	s17 =	sld [smem:$0x11];
	(tm) =	ssettm $0x1  }
0x98: {  	s18 =	sld [smem:$0x3FFB];
	_ =	sdelay $0x3  }
0x99: {  	_ =	strace s18  }
0x9a: {  	s6 =	sld [smem:$0x3FFC];
	_ =	sdelay $0x3  }
0x9b: {  	_ =	strace s6  }
0x9c: {  	s6 =	sld [smem:$0x3FFD];
	_ =	sdelay $0x3  }
0x9d: {  	_ =	strace s6  }
0x9e: {  	_ =	strace $0x8FFFFFFF  }
0x9f: {  	s19 =	sld [smem:$0x3FDB];
	_ =	sdelay $0x1  }
0xa0: {  	s7 =	simm.s32 $_scs_section_size  }
0xa1: {  	s8 =	simm.s32 $_size__tile_overlayer_lowered;
	s9 =	simm.s32 $_tile_overlayer_lowered  }
0xa2: {  	s22 =	simm.s32 $0x1BFF;
	s21 =	sshll.u32 s9, $0x1;
	s6 =	sadd.s32 s7, s19  }
0xa3: {  	s10 =	simm.s32 $0x0;
	s20 =	sshll.u32 s8, $0x1;
	s8 =	sadd.s32 s21, s6  }
0xa4: {  	[timem:s10], [sflag:s22] =	dma.local [hbm:s8], s20  }
0xa5: {  	_ =	swait.ge [sflag:s22], s20  }
0xa6: {  	s7 =	ssub.s32 $0x0, s20;
	[sflag:s22] =	ssyncset.done $0x0  }
0xa7: {  	[sflag:s22] =	ssyncadd.s32 s7;
	_ =	sdelay $0x1  }
0xa8: {  	s23 =	simm.s32 $0x1B8B  }
0xa9: {  	_ =	swait.ge [sflag:s23], $0x1  }
0xaa: {  	[sflag:s23] =	ssyncset.done $0x0  }
0xab: {  	s25 =	simm.s32 $0x1B8E;
	s24 =	sld [smem:$0x3FFE];
	[sflag:s23] =	ssyncadd.s32 $0xFFFFFFFF  }
0xac: {  	s26 =	simm.s32 $execute0_lowered;
	[smem:$0x3FD2] =	sst s25  }
0xad: {  	s8 =	sshll.u32 s26, $0x1;
	_ =	strace $0x80000046;
	[dreg:$0x1] =	wrdreg $0xFFFFFFFF  }
0xae: {  	s28 =	simm.s32 $_size_execute0_lowered;
	s6 =	sadd.s32 s6, s8;
	[dreg:$0x0] =	wrdreg $0x0  }
0xaf: {  	s8 =	sshll.u32 s28, $0x1;
	[dreg:$0x2] =	wrdreg s6  }
0xb0: {  	[dreg:$0x3] =	wrdreg s8  }
0xb1: {  	[dreg:$0x4] =	wrdreg $0xC0  }
0xb2: {  	_ =	task [dreg:s10], $0x5FFFF  }
0xb3: {  	[dreg:$0x1] =	wrdreg $0xFFFFFFFF  }
0xb4: {  	[dreg:$0x0] =	wrdreg $0x60  }
0xb5: {  	[dreg:$0x2] =	wrdreg s15  }
0xb6: {  	[dreg:$0x3] =	wrdreg s4  }
0xb7: {  	[dreg:$0x4] =	wrdreg s24  }
0xb8: {  	[dreg:$0x5] =	wrdreg s16  }
0xb9: {  	[dreg:$0x6] =	wrdreg s17  }
0xba: {  	[dreg:$0x7] =	wrdreg $0x9  }
0xbb: {  	_ =	task.clear_ibuf [dreg:s10], $0x8FFFF;
	_ =	strace $0x90000046  }
0xbc: {  	s29 =	simm.s32 $0x9;
	_ =	strace $0x80000048  }
0xbd: {  	_ =	swait.ge [sflag:s29], $0x1  }
0xbe: {  	[sflag:s29] =	ssyncadd.s32 $0xFFFFFFFF  }
0xbf: {  	_ =	strace $0x90000048  }
0xc0: {  	_ =	sfence  }
0xc1: {  	s30 =	sld [smem:$0x0];
	_ =	sdelay $0x2  }
0xc2: {  	s31 =	sshll.u32 s1, $0xD;
	s1 =	sshrl.u32 s1, $0x2  }
0xc3: {  	s3 =	sand.u32 $0x4000, s31;
	s1 =	sadd.s32 s1, s30  }
0xc4: {  	s0 =	sor.u32 s3, s0;
	s1 =	sshll.u32 s1, $0x11  }
0xc5: {  	s0 =	sor.u32 s1, s0  }
0xc6: {  	s0 =	sadd.s32 $0x8F2B, s0  }
0xc7: {  	[sflag:s0] =	ssyncadd.remote.s32 $0x1  }
0xc8: {  	_ =	sfence.sel $0xFFFF  }
0xc9: {  	[dreg:$0x0] =	wrdreg $0xFFFFFFFF;
	(pc) =	sbr.abs _section_cstart, $3  }
0xca: {  	[dreg:$0x1] =	wrdreg $0xFFFFFFFF  }
0xcb: {  	_ =	task.clear_ibuf [dreg:s10], $0x2FFFF;
	_ =	strace $0x9FFFFFFF  }
0xcc: {  	(tm) =	ssettm $0x7FFFFFFF  }
0xcd: {  	_ =	shalt  }
tec
execute0_lowered:
.L_overlay_start_1:
0x0: {  	(tag) =	ssettag $0x1  }
0x1: {  	s4 =	rddreg [dreg:$0x0]  }
0x2: {  	s5 =	rddreg [dreg:$0x1]  }
0x3: {  	s3 =	rddreg [dreg:$0x2]  }
0x4: {  	s6 =	rddreg [dreg:$0x3]  }
0x5: {  	s7 =	rddreg [dreg:$0x4]  }
0x6: {  	s0 =	rddreg [dreg:$0x5]  }
0x7: {  	s2 =	simm.s32 $0x0;
	s8 =	srdreg.scid;
	s1 =	stileid.u32  }
0x8: {  	s12 =	simm.s32 $0xAD0;
	s13 =	simm.s32 $0xDD0;
	s14 =	simm.s32 $0x15D0  }
0x9: {  	s15 =	simm.s32 $0x2;
	s16 =	simm.s32 $0x0;
	[smem:$0x7FF] =	sst s2  }
0xa: {  	s8 =	sand.u32 $0x1, s8;
	s9 =	sshll.u32 s1, $0x1;
	s3 =	sadd.s32 $0xC00, s3  }
0xb: {  	_ =	strace $0x80000047;
	s10 =	ssub.s32 $0x2, s8;
	s8 =	sor.u32 s8, s9  }
0xc: {  	v1 =	vimm.s32 $0x7654321;
	v2 =	vimm.s32 $0x10765432;
	s31 =	sshrl.u32 s10, $0x1;
	s11 =	sshll.u32 s8, $0x8;
	s8 =	sshll.u32 s8, $0x6  }
0xd: {  	v0 =	vlaneseq.u32;
	v3 =	vunpack.c.l.s4.s8 v1;
	v5 =	vunpack.c.l.s4.s8 v2;
	s9 =	ssub.s32 s10, s31;
	s4 =	sadd.s32 s4, s11;
	s5 =	sadd.s32 s5, s8  }
0xe: {  	v1 =	vor.u32 $0xFFFFFFF8, v0;
	v2 =	vadd.s32 $0x31, v0;
	s6 =	sadd.s32 s6, s11;
	s7 =	sadd.s32 s7, s11;
	s10 =	simm.s32 $0x800  }
0xf: {  	v4 =	vadd.s32 $0x62, v0;
	v3 =	vunpack.c.0.s8.s32 v3;
	v5 =	vunpack.c.0.s8.s32 v5;
	s11 =	simm.s32 $0x1;
	s8 =	smax.u32 s9, $0x1;
	s9 =	simm.s32 $0xA00  }
.LBB2_1:
0x10: {  	[tilespmem:s9], [sflag:$0x1] =	stream.linear.gather [hbm4b:s3+s2], $0xC0, $0x38;
	[tilespmem:$0x1DD0] =	vst v63  }
0x11: {  	_ = 	snop  }
0x12: {  	[tilespmem:s2], [sflag:$0x1] =	stream.linear.gather [hbm4b:s4+s2], $0x800, $0x38;
	[tilespmem:$0x1DD0] =	vst v63  }
0x13: {  	_ = 	snop  }
0x14: {  	[tilespmem:s10], [sflag:$0x1] =	stream.linear.gather [hbm4b:s5+s2], $0x200, $0x38;
	[tilespmem:$0x1DD0] =	vst v63  }
0x15: {  	_ =	swait.ge [sflag:s11], $0xC0  }
0x16: {  	[sflag:s11] =	ssyncset.done $0x0  }
0x17: {  	[sflag:s11] =	ssyncadd.s32 $0xFFFFFF40  }
0x18: {  	s17 =	simm.s32 $0xAD0;
	s18 =	simm.s32 $0x0;
	v8 =	vld [tilespmem:$0xAB0]  }
.LBB2_2:
0x19: {  	s19 =	simm.s32 $0x0  }
0x1a: {  	s19 =	smul.u32 $0xAB, s19;
	_ =	sdelay $0x1  }
0x1b: {  	s19 =	sshrl.u32 s19, $0x9  }
0x1c: {  	s19 =	sand.u32 $0x7F, s19  }
0x1d: {  	s19 =	smul.u32 $0x3, s19  }
0x1e: {  	s20 =	simm.s32 $0x1  }
0x1f: {  	s21 =	sshll.u32 s18, $0x4;
	s20 =	smul.u32 $0xAB, s20;
	s19 =	ssub.s32 $0x0, s19  }
0x20: {  	v7 =	vadd.s32 s21, v2;
	s19 =	sand.u32 $0xFF, s19  }
0x21: {  	v6 =	vor.u32 s21, v0;
	v7 =	vand.u32 $0xF8, v7;
	s20 =	sshrl.u32 s20, $0x9;
	s22 =	smul.u32 $0xC, s19  }
0x22: {  	v6 =	vand.u32 v1, v6;
	v9 =	vor.u32 v3, v7;
	v7 =	vadd.s32 s21, v4;
	s20 =	sand.u32 $0x7F, s20;
	s19 =	ssub.s32 $0x0, s19  }
0x23: {  	s23 =	simm.s32 $0x2;
	v7 =	vand.u32 $0xF8, v7;
	s20 =	smul.u32 $0x3, s20;
	s19 =	sadd.s32 s19, s22  }
0x24: {  	s25 =	smul.u32 $0xAB, s23;
	v12 =	vor.u32 v5, v7;
	s26 =	sadd.s32 $0x98, s19  }
0x25: {  	s20 =	ssub.s32 $0x1, s20;
	s28 =	sadd.s32 $0x99, s19;
	v10 =	vmov s26  }
0x26: {  	s20 =	sand.u32 $0xFF, s20;
	s22 =	sshrl.u32 s25, $0x9;
	v11 =	vmov s28  }
0x27: {  	v7 =	vld.idx.msk [tilespmem:v6+s9+$0x0], $0xffff;
	s31 =	smul.u32 $0xC, s20;
	s29 =	sand.u32 $0x7F, s22  }
0x28: {  	v6 =	vld.idx.msk [tilespmem:v9+s9+$0x0], $0xffff;
	s20 =	ssub.s32 $0x1, s20;
	s19 =	sadd.s32 $0x9A, s19;
	s21 =	smul.u32 $0x3, s29  }
0x29: {  	s30 =	simm.s32 $0x3;
	v9 =	vld.idx.msk [tilespmem:v12+s9+$0x0], $0xffff;
	v13 =	vmov s19;
	s19 =	sadd.s32 s20, s31  }
0x2a: {  	s22 =	smul.u32 $0xAB, s30;
	s24 =	sadd.s32 $0x98, s19;
	s21 =	ssub.s32 $0x2, s21;
	v10 =	vld.idx.msk [tilespmem:v10+s9+$0x0], $0xffff  }
0x2b: {  	s26 =	sadd.s32 $0x99, s19;
	v12 =	vmov s24;
	s21 =	sand.u32 $0xFF, s21;
	v11 =	vld.idx.msk [tilespmem:v11+s9+$0x0], $0xffff  }
0x2c: {  	s20 =	sshrl.u32 s22, $0x9;
	s19 =	sadd.s32 $0x9A, s19;
	v14 =	vmov s26;
	s25 =	smul.u32 $0xC, s21  }
0x2d: {  	s20 =	sand.u32 $0x7F, s20;
	v16 =	vmov s19;
	s21 =	ssub.s32 $0x2, s21  }
0x2e: {  	s28 =	smul.u32 $0x3, s20;
	v13 =	vld.idx.msk [tilespmem:v13+s9+$0x0], $0xffff;
	s21 =	sadd.s32 s21, s25  }
0x2f: {  	s20 =	simm.s32 $0x4;
	s29 =	sadd.s32 $0x98, s21  }
0x30: {  	s30 =	smul.u32 $0xAB, s20;
	s22 =	ssub.s32 $0x3, s28;
	v15 =	vld.idx.msk [tilespmem:v12+s9+$0x0], $0xffff;
	v17 =	vmov s29;
	v10 =	vmul.f32 v10, v7;
	v18 =	vmul.f32 v11, v6  }
0x31: {  	s22 =	sand.u32 $0xFF, s22;
	s24 =	sadd.s32 $0x99, s21;
	v11 =	vld.idx.msk [tilespmem:v14+s9+$0x0], $0xffff  }
0x32: {  	s19 =	sshrl.u32 s30, $0x9;
	s31 =	smul.u32 $0xC, s22;
	v12 =	vadd.f32 v18, v10;
	v10 =	vld.idx.msk [tilespmem:v16+s9+$0x0], $0xffff;
	v16 =	vmov s24  }
0x33: {  	s22 =	ssub.s32 $0x3, s22;
	s25 =	sadd.s32 $0x9A, s21;
	s19 =	sand.u32 $0x7F, s19;
	v13 =	vmul.f32 v13, v9  }
0x34: {  	s23 =	smul.u32 $0x3, s19;
	s21 =	sadd.s32 s22, s31;
	v14 =	vmov s25  }
0x35: {  	s19 =	smov.u32 s17;
	s22 =	simm.s32 $0x5;
	s24 =	sadd.s32 $0x98, s21;
	v13 =	vadd.f32 v13, v12;
	v12 =	vld.idx.msk [tilespmem:v17+s9+$0x0], $0xffff  }
.LBB2_3:
0x36: {  	s25 =	smul.u32 $0xAB, s22;
	s23 =	ssub.s32 s20, s23  }
0x37: {  	v17 =	vmov s24;
	s24 =	sadd.s32 $0x99, s21;
	v15 =	vmul.f32 v15, v7;
	v18 =	vmul.f32 v11, v6;
	v11 =	vld.idx.msk [tilespmem:v16+s9+$0x0], $0xffff;
	[tilespmem:s19+$0x0] =	vst v13;
	s26 =	smov.u32 s22;
	p0 =	sne.s32 s22, $0xB  }
.Ltmp0:
0x38: {  	s22 =	sadd.s32 $0x1, s22;
	s23 =	sand.u32 $0xFF, s23;
	v16 =	vmov s24;
	(pc) =	sbr.rel @p0 .LBB2_3-.Ltmp0, $4  }
0x39: {  	s21 =	sadd.s32 $0x9A, s21;
	s24 =	sshrl.u32 s25, $0x9;
	s25 =	smul.u32 $0xC, s23;
	v13 =	vadd.f32 v18, v15;
	v18 =	vmul.f32 v10, v9;
	v10 =	vld.idx.msk [tilespmem:v14+s9+$0x0], $0xffff  }
0x3a: {  	s28 =	ssub.s32 s20, s23;
	v14 =	vmov s21;
	s20 =	smov.u32 s26;
	s24 =	sand.u32 $0x7F, s24  }
0x3b: {  	s23 =	smul.u32 $0x3, s24;
	s21 =	sadd.s32 s28, s25;
	v13 =	vadd.f32 v18, v13  }
0x3c: {  	s19 =	sadd.s32 $0x40, s19;
	v15 =	vmov v12;
	s24 =	sadd.s32 $0x98, s21;
	v12 =	vld.idx.msk [tilespmem:v17+s9+$0x0], $0xffff  }
0x3d: {  	s22 =	ssub.s32 s20, s23  }
0x3e: {  	s22 =	sand.u32 $0xFF, s22  }
0x3f: {  	s31 =	smul.u32 $0xC, s22  }
0x40: {  	s25 =	ssub.s32 s20, s22  }
0x41: {  	v17 =	vmov s24;
	s28 =	sadd.s32 $0x99, s21;
	s20 =	sadd.s32 s25, s31  }
0x42: {  	v19 =	vmov s28;
	s26 =	sadd.s32 $0x98, s20  }
0x43: {  	s29 =	sadd.s32 $0x99, s20;
	v18 =	vmov s26  }
0x44: {  	v16 =	vld.idx.msk [tilespmem:v16+s9+$0x0], $0xffff;
	s30 =	sadd.s32 $0x9A, s21;
	v20 =	vmov s29  }
0x45: {  	v14 =	vld.idx.msk [tilespmem:v14+s9+$0x0], $0xffff;
	v21 =	vmov s30;
	s20 =	sadd.s32 $0x9A, s20  }
0x46: {  	v17 =	vld.idx.msk [tilespmem:v17+s9+$0x0], $0xffff;
	v22 =	vmov s20  }
0x47: {  	v19 =	vld.idx.msk [tilespmem:v19+s9+$0x0], $0xffff  }
0x48: {  	v18 =	vld.idx.msk [tilespmem:v18+s9+$0x0], $0xffff  }
0x49: {  	v20 =	vld.idx.msk [tilespmem:v20+s9+$0x0], $0xffff  }
0x4a: {  	v15 =	vmul.f32 v15, v7;
	v11 =	vmul.f32 v11, v6;
	v21 =	vld.idx.msk [tilespmem:v21+s9+$0x0], $0xffff  }
0x4b: {  	v10 =	vmul.f32 v10, v9;
	v12 =	vmul.f32 v12, v7;
	v22 =	vld.idx.msk [tilespmem:v22+s9+$0x0], $0xffff  }
0x4c: {  	v16 =	vmul.f32 v16, v6;
	v14 =	vmul.f32 v14, v9  }
0x4d: {  	v11 =	vadd.f32 v11, v15;
	v17 =	vmul.f32 v17, v7;
	v62 =	vmul.f32 v19, v6  }
0x4e: {  	s18 =	sadd.s32 $0x1, s18;
	v12 =	vadd.f32 v16, v12;
	v7 =	vmul.f32 v18, v7;
	v6 =	vmul.f32 v20, v6  }
0x4f: {  	p0 =	sne.s32 s18, $0x4;
	v10 =	vadd.f32 v10, v11;
	v63 =	vmul.f32 v21, v9;
	v11 =	vadd.f32 v62, v17  }
.Ltmp1:
0x50: {  	[tilespmem:s19+$0x0] =	vst v13;
	s31 =	sadd.s32 $0x40, s19;
	v12 =	vadd.f32 v14, v12;
	v6 =	vadd.f32 v6, v7;
	v7 =	vmul.f32 v22, v9;
	(pc) =	sbr.rel @p0 .LBB2_2-.Ltmp1, $4  }
0x51: {  	s19 =	sadd.s32 $0x40, s31;
	[tilespmem:s31+$0x0] =	vst v10;
	v9 =	vadd.f32 v63, v11  }
0x52: {  	[tilespmem:s19+$0x0] =	vst v12;
	s19 =	sadd.s32 $0x40, s19;
	v6 =	vadd.f32 v7, v6  }
0x53: {  	[tilespmem:s19+$0x0] =	vst v9;
	s19 =	sadd.s32 $0x40, s19  }
0x54: {  	s17 =	sadd.s32 $0x10, s17;
	[tilespmem:s19+$0x0] =	vst v6  }
0x55: {  	_ =	swait.ge [sflag:s11], $0x800  }
0x56: {  	[sflag:s11] =	ssyncset.done $0x0  }
0x57: {  	[sflag:s11] =	ssyncadd.s32 $0xFFFFF800  }
0x58: {  	s17 =	simm.s32 $0x0;
	s18 =	simm.s32 $0x0;
	_ =	swait.ge [sflag:s11], $0x200  }
0x59: {  	s17 =	sand.u32 $0x600, s17;
	s18 =	sand.u32 $0x60, s18;
	[sflag:s11] =	ssyncset.done $0x0  }
0x5a: {  	s23 =	sor.u32 s18, s17;
	[sflag:s11] =	ssyncadd.s32 $0xFFFFFE00  }
0x5b: {  	v9 =	vld [tilespmem:s23+$0x0]  }
0x5c: {  	v10 =	vld [tilespmem:s23+$0x80];
	_ =	sdelay $0x1  }
0x5d: {  	v11 =	vld [tilespmem:s23+$0x100];
	_ =	sdelay $0x1  }
0x5e: {  	s26 =	simm.s32 $0x10;
	v12 =	vld [tilespmem:s23+$0x180]  }
0x5f: {  	s18 =	sand.u32 $0x70, s26;
	v6 =	vadd.s32 $0xC0, v10  }
0x60: {  	s17 =	sor.u32 s17, s18  }
0x61: {  	v13 =	vld [tilespmem:s17+$0x0];
	v7 =	vadd.s32 $0x180, v11  }
0x62: {  	v14 =	vld.idx.msk [tilespmem:v9+s12+$0x0], $0xffff  }
0x63: {  	v15 =	vld [tilespmem:s17+$0x80];
	v16 =	vadd.s32 $0x240, v12  }
0x64: {  	v17 =	vld.idx.msk [tilespmem:v6+s12+$0x0], $0xffff  }
0x65: {  	v18 =	vld [tilespmem:s17+$0x100];
	v6 =	vbroadcast v8, $0xC  }
0x66: {  	v7 =	vld.idx.msk [tilespmem:v7+s12+$0x0], $0xffff  }
0x67: {  	v19 =	vld [tilespmem:s17+$0x180];
	v14 =	vadd.f32 v14, v6  }
0x68: {  	v20 =	vadd.s32 $0xC0, v15;
	v16 =	vld.idx.msk [tilespmem:v16+s12+$0x0], $0xffff  }
0x69: {  	v14 =	vadd.f32 v17, v14  }
0x6a: {  	v17 =	vadd.s32 $0x180, v18  }
0x6b: {  	v21 =	vld.idx.msk [tilespmem:v13+s12+$0x0], $0xffff;
	v7 =	vadd.f32 v7, v14;
	v14 =	vadd.s32 $0x40, v9  }
0x6c: {  	v22 =	vadd.s32 $0x240, v19  }
0x6d: {  	v20 =	vld.idx.msk [tilespmem:v20+s12+$0x0], $0xffff;
	v7 =	vadd.f32 v16, v7;
	v16 =	vadd.s32 $0x100, v10;
	_ =	sdelay $0x1  }
0x6e: {  	v23 =	vadd.s32 $0x1C0, v11;
	v17 =	vld.idx.msk [tilespmem:v17+s12+$0x0], $0xffff;
	[tilespmem:s23+$0xDD0] =	vst v7  }
0x6f: {  	v7 =	vadd.f32 v21, v6;
	v14 =	vld.idx.msk [tilespmem:v14+s12+$0x0], $0xffff  }
0x70: {  	v21 =	vld.idx.msk [tilespmem:v22+s12+$0x0], $0xffff;
	v22 =	vadd.s32 $0x280, v12  }
0x71: {  	v20 =	vadd.f32 v20, v7;
	v16 =	vld.idx.msk [tilespmem:v16+s12+$0x0], $0xffff  }
0x72: {  	v7 =	vbroadcast v8, $0xD  }
0x73: {  	v24 =	vadd.s32 $0x40, v13;
	v17 =	vadd.f32 v17, v20;
	v20 =	vld.idx.msk [tilespmem:v23+s12+$0x0], $0xffff  }
0x74: {  	s28 =	simm.s32 $0x20;
	s19 =	simm.s32 $0x80;
	s20 =	simm.s32 $0x30;
	v23 =	vadd.s32 $0x100, v15;
	v14 =	vadd.f32 v14, v7  }
0x75: {  	s19 =	sand.u32 $0x600, s19;
	s20 =	sand.u32 $0x70, s20;
	s18 =	sand.u32 $0x60, s28;
	v17 =	vadd.f32 v21, v17;
	v21 =	vld.idx.msk [tilespmem:v22+s12+$0x0], $0xffff  }
0x76: {  	s18 =	sor.u32 s18, s19;
	s19 =	sor.u32 s19, s20;
	v22 =	vadd.s32 $0x280, v19;
	v14 =	vadd.f32 v16, v14  }
0x77: {  	v26 =	vld [tilespmem:s19+$0x0];
	[tilespmem:s17+$0xDD0] =	vst v17  }
0x78: {  	v9 =	vadd.s32 $0x80, v9;
	v16 =	vld.idx.msk [tilespmem:v24+s12+$0x0], $0xffff;
	v14 =	vadd.f32 v20, v14  }
0x79: {  	v17 =	vld.idx.msk [tilespmem:v23+s12+$0x0], $0xffff  }
0x7a: {  	v10 =	vadd.s32 $0x140, v10;
	v23 =	vld [tilespmem:s18+$0x100];
	v14 =	vadd.f32 v21, v14  }
0x7b: {  	v21 =	vld.idx.msk [tilespmem:v22+s12+$0x0], $0xffff  }
0x7c: {  	v11 =	vadd.s32 $0x200, v11;
	v22 =	vld [tilespmem:s18+$0x0];
	[tilespmem:s23+$0xE50] =	vst v14  }
0x7d: {  	v25 =	vadd.s32 $0x1C0, v18;
	v9 =	vld.idx.msk [tilespmem:v9+s12+$0x0], $0xffff  }
0x7e: {  	v12 =	vadd.s32 $0x2C0, v12;
	v14 =	vld [tilespmem:s18+$0x80]  }
0x7f: {  	v10 =	vld.idx.msk [tilespmem:v10+s12+$0x0], $0xffff  }
0x80: {  	v8 =	vbroadcast v8, $0xE;
	v24 =	vld [tilespmem:s18+$0x180]  }
0x81: {  	v11 =	vld.idx.msk [tilespmem:v11+s12+$0x0], $0xffff  }
0x82: {  	v20 =	vld.idx.msk [tilespmem:v25+s12+$0x0], $0xffff;
	v9 =	vadd.f32 v9, v8  }
0x83: {  	v12 =	vld.idx.msk [tilespmem:v12+s12+$0x0], $0xffff;
	v25 =	vadd.s32 $0xC0, v14  }
0x84: {  	v27 =	vld [tilespmem:s19+$0x80];
	v9 =	vadd.f32 v10, v9;
	v10 =	vadd.f32 v16, v7;
	v16 =	vadd.s32 $0x180, v23  }
0x85: {  	v29 =	vld.idx.msk [tilespmem:v22+s12+$0x0], $0xffff  }
0x86: {  	v28 =	vld [tilespmem:s19+$0x100];
	v9 =	vadd.f32 v11, v9;
	v10 =	vadd.f32 v17, v10  }
0x87: {  	v11 =	vadd.s32 $0x240, v24;
	v17 =	vld [tilespmem:s19+$0x180]  }
0x88: {  	v25 =	vld.idx.msk [tilespmem:v25+s12+$0x0], $0xffff;
	v9 =	vadd.f32 v12, v9;
	v12 =	vadd.s32 $0x80, v13;
	v10 =	vadd.f32 v20, v10  }
0x89: {  	v13 =	vadd.s32 $0xC0, v27;
	v16 =	vld.idx.msk [tilespmem:v16+s12+$0x0], $0xffff  }
0x8a: {  	s29 =	simm.s32 $0x0;
	v15 =	vadd.s32 $0x140, v15;
	[tilespmem:s23+$0xED0] =	vst v9;
	v9 =	vadd.f32 v21, v10;
	v21 =	vadd.f32 v29, v6;
	v29 =	vld.idx.msk [tilespmem:v26+s12+$0x0], $0xffff  }
0x8b: {  	v18 =	vadd.s32 $0x200, v18;
	v20 =	vld [tilespmem:s29+$0x800]  }
0x8c: {  	v10 =	vadd.s32 $0x180, v28;
	v11 =	vld.idx.msk [tilespmem:v11+s12+$0x0], $0xffff;
	[tilespmem:s17+$0xE50] =	vst v9  }
0x8d: {  	v9 =	vadd.s32 $0x240, v17;
	v21 =	vadd.f32 v25, v21;
	v12 =	vld.idx.msk [tilespmem:v12+s12+$0x0], $0xffff  }
0x8e: {  	v13 =	vld.idx.msk [tilespmem:v13+s12+$0x0], $0xffff  }
0x8f: {  	v15 =	vld.idx.msk [tilespmem:v15+s12+$0x0], $0xffff;
	v16 =	vadd.f32 v16, v21;
	v21 =	vadd.s32 $0x40, v22  }
0x90: {  	v19 =	vadd.s32 $0x2C0, v19;
	v18 =	vld.idx.msk [tilespmem:v18+s12+$0x0], $0xffff  }
0x91: {  	v10 =	vld.idx.msk [tilespmem:v10+s12+$0x0], $0xffff;
	v11 =	vadd.f32 v11, v16;
	v16 =	vadd.s32 $0x100, v14  }
0x92: {  	v30 =	vadd.s32 $0x280, v24;
	v25 =	vadd.f32 v29, v6;
	v9 =	vld.idx.msk [tilespmem:v9+s12+$0x0], $0xffff  }
0x93: {  	[tilespmem:s18+$0xDD0] =	vst v11;
	v11 =	vadd.s32 $0x1C0, v23;
	v12 =	vadd.f32 v12, v8;
	v29 =	vld.idx.msk [tilespmem:v20+s9+$0x0], $0xffff  }
0x94: {  	v13 =	vadd.f32 v13, v25;
	v21 =	vld.idx.msk [tilespmem:v21+s12+$0x0], $0xffff  }
0x95: {  	v19 =	vld.idx.msk [tilespmem:v19+s12+$0x0], $0xffff;
	v25 =	vadd.s32 $0x31, v20;
	v12 =	vadd.f32 v15, v12  }
0x96: {  	s21 =	simm.s32 $0x40;
	s22 =	simm.s32 $0x100;
	s31 =	simm.s32 $0x50;
	v31 =	vadd.s32 $0x40, v26;
	v10 =	vadd.f32 v10, v13;
	v16 =	vld.idx.msk [tilespmem:v16+s12+$0x0], $0xffff  }
0x97: {  	s24 =	sand.u32 $0x600, s22;
	s30 =	sand.u32 $0x60, s21;
	s21 =	sand.u32 $0x70, s31;
	v13 =	vadd.s32 $0x100, v27;
	v12 =	vadd.f32 v18, v12;
	v18 =	vld.idx.msk [tilespmem:v30+s12+$0x0], $0xffff  }
0x98: {  	s21 =	sor.u32 s24, s21;
	v32 =	vadd.s32 $0x1C0, v28;
	v9 =	vadd.f32 v9, v10;
	v11 =	vld.idx.msk [tilespmem:v11+s12+$0x0], $0xffff  }
0x99: {  	v10 =	vadd.s32 $0x280, v17;
	[tilespmem:s23+$0x15D0] =	vst v29;
	v21 =	vadd.f32 v21, v7;
	v29 =	vld [tilespmem:s21+$0x180]  }
0x9a: {  	[tilespmem:s19+$0xDD0] =	vst v9;
	v15 =	vld.idx.msk [tilespmem:v25+s9+$0x0], $0xffff  }
0x9b: {  	v9 =	vadd.s32 $0x62, v20;
	v25 =	vld.idx.msk [tilespmem:v31+s12+$0x0], $0xffff;
	v16 =	vadd.f32 v16, v21  }
0x9c: {  	v12 =	vadd.f32 v19, v12;
	v13 =	vld.idx.msk [tilespmem:v13+s12+$0x0], $0xffff  }
0x9d: {  	v19 =	vld.idx.msk [tilespmem:v32+s12+$0x0], $0xffff;
	v11 =	vadd.f32 v11, v16;
	v16 =	vadd.s32 $0x80, v22  }
0x9e: {  	s20 =	sor.u32 s30, s24;
	[tilespmem:s17+$0xED0] =	vst v12;
	v12 =	vld.idx.msk [tilespmem:v10+s12+$0x0], $0xffff  }
0x9f: {  	[tilespmem:s23+$0x1650] =	vst v15;
	v10 =	vadd.f32 v18, v11;
	v11 =	vadd.s32 $0x140, v14;
	v18 =	vld [tilespmem:s20+$0x0]  }
0xa0: {  	v14 =	vld.idx.msk [tilespmem:v9+s9+$0x0], $0xffff  }
0xa1: {  	v20 =	vadd.s32 $0x200, v23;
	v9 =	vld [tilespmem:s20+$0x100];
	[tilespmem:s18+$0xE50] =	vst v10  }
0xa2: {  	v16 =	vld.idx.msk [tilespmem:v16+s12+$0x0], $0xffff  }
0xa3: {  	v21 =	vadd.s32 $0x2C0, v24;
	v10 =	vld [tilespmem:s20+$0x80]  }
0xa4: {  	v23 =	vadd.f32 v25, v7;
	v22 =	vld.idx.msk [tilespmem:v11+s12+$0x0], $0xffff  }
0xa5: {  	v24 =	vld [tilespmem:s21+$0x0]  }
0xa6: {  	v13 =	vadd.f32 v13, v23;
	v20 =	vld.idx.msk [tilespmem:v20+s12+$0x0], $0xffff  }
0xa7: {  	v11 =	vld [tilespmem:s20+$0x180];
	v16 =	vadd.f32 v16, v8  }
0xa8: {  	v21 =	vld.idx.msk [tilespmem:v21+s12+$0x0], $0xffff;
	v13 =	vadd.f32 v19, v13;
	v23 =	vadd.s32 $0xC0, v10  }
0xa9: {  	v25 =	vadd.s32 $0x80, v26;
	v26 =	vld [tilespmem:s21+$0x80];
	v19 =	vadd.s32 $0x180, v9;
	v16 =	vadd.f32 v22, v16  }
0xaa: {  	v12 =	vadd.f32 v12, v13;
	v13 =	vld.idx.msk [tilespmem:v18+s12+$0x0], $0xffff  }
0xab: {  	v22 =	vld [tilespmem:s21+$0x100];
	v16 =	vadd.f32 v20, v16  }
0xac: {  	v15 =	vld [tilespmem:s29+$0x810];
	v20 =	vadd.s32 $0x240, v11  }
0xad: {  	[tilespmem:s19+$0xE50] =	vst v12;
	v12 =	vld.idx.msk [tilespmem:v23+s12+$0x0], $0xffff;
	v16 =	vadd.f32 v21, v16  }
0xae: {  	v28 =	vadd.s32 $0x200, v28;
	v19 =	vld.idx.msk [tilespmem:v19+s12+$0x0], $0xffff  }
0xaf: {  	s24 =	simm.s32 $0x20;
	v23 =	vld.idx.msk [tilespmem:v25+s12+$0x0], $0xffff;
	v21 =	vadd.s32 $0xC0, v26;
	[tilespmem:s18+$0xED0] =	vst v16  }
0xb0: {  	v13 =	vadd.f32 v13, v6;
	v25 =	vadd.s32 $0x180, v22;
	v16 =	vadd.s32 $0x140, v27;
	v27 =	vld [tilespmem:s24+$0x800]  }
0xb1: {  	v57 =	vadd.s32 $0x240, v29;
	v20 =	vld.idx.msk [tilespmem:v20+s12+$0x0], $0xffff  }
0xb2: {  	v58 =	vld.idx.msk [tilespmem:v24+s12+$0x0], $0xffff;
	v12 =	vadd.f32 v12, v13  }
0xb3: {  	v17 =	vadd.s32 $0x2C0, v17;
	v28 =	vld.idx.msk [tilespmem:v28+s12+$0x0], $0xffff  }
0xb4: {  	v13 =	vld.idx.msk [tilespmem:v21+s12+$0x0], $0xffff;
	v12 =	vadd.f32 v19, v12  }
0xb5: {  	v19 =	vadd.s32 $0x40, v18;
	v21 =	vld.idx.msk [tilespmem:v25+s12+$0x0], $0xffff  }
0xb6: {  	v25 =	vld.idx.msk [tilespmem:v57+s12+$0x0], $0xffff;
	v12 =	vadd.f32 v20, v12  }
0xb7: {  	v16 =	vld.idx.msk [tilespmem:v16+s12+$0x0], $0xffff;
	v20 =	vadd.s32 $0x100, v10  }
0xb8: {  	v59 =	vadd.f32 v58, v6;
	[tilespmem:s20+$0xDD0] =	vst v12;
	v12 =	vld.idx.msk [tilespmem:v17+s12+$0x0], $0xffff  }
0xb9: {  	v61 =	vadd.s32 $0x1C0, v9;
	v60 =	vld.idx.msk [tilespmem:v27+s9+$0x0], $0xffff  }
0xba: {  	v23 =	vadd.f32 v23, v8;
	v13 =	vadd.f32 v13, v59;
	v17 =	vadd.s32 $0x31, v27;
	v62 =	vld.idx.msk [tilespmem:v19+s12+$0x0], $0xffff  }
0xbb: {  	v33 =	vadd.s32 $0x280, v11  }
0xbc: {  	v34 =	vadd.s32 $0x40, v24;
	v13 =	vadd.f32 v21, v13;
	v16 =	vadd.f32 v16, v23;
	v20 =	vld.idx.msk [tilespmem:v20+s12+$0x0], $0xffff  }
0xbd: {  	v36 =	vadd.s32 $0x100, v26;
	v35 =	vld.idx.msk [tilespmem:v15+s9+$0x0], $0xffff  }
0xbe: {  	v37 =	vadd.s32 $0x1C0, v22;
	v32 =	vld.idx.msk [tilespmem:v61+s12+$0x0], $0xffff;
	v13 =	vadd.f32 v25, v13;
	v16 =	vadd.f32 v28, v16;
	[tilespmem:s18+$0x15D0] =	vst v60  }
0xbf: {  	v63 =	vadd.s32 $0x280, v29;
	v19 =	vld.idx.msk [tilespmem:v17+s9+$0x0], $0xffff;
	v17 =	vadd.f32 v62, v7  }
0xc0: {  	v21 =	vld.idx.msk [tilespmem:v33+s12+$0x0], $0xffff;
	[tilespmem:s21+$0xDD0] =	vst v13;
	v28 =	vadd.f32 v12, v16  }
0xc1: {  	v16 =	vadd.s32 $0x80, v24;
	v25 =	vld.idx.msk [tilespmem:v34+s12+$0x0], $0xffff;
	v24 =	vadd.f32 v20, v17;
	v20 =	vadd.s32 $0x62, v27  }
0xc2: {  	[tilespmem:s23+$0x16D0] =	vst v14;
	v13 =	vadd.s32 $0x31, v15;
	v23 =	vld.idx.msk [tilespmem:v36+s12+$0x0], $0xffff  }
0xc3: {  	v14 =	vadd.s32 $0x2C0, v29;
	[tilespmem:s17+$0x15D0] =	vst v35;
	v12 =	vadd.s32 $0x62, v15;
	v15 =	vadd.s32 $0x200, v22;
	v22 =	vld.idx.msk [tilespmem:v37+s12+$0x0], $0xffff  }
0xc4: {  	s25 =	simm.s32 $0x4;
	s26 =	simm.s32 $0x70;
	s23 =	simm.s32 $0x100;
	[tilespmem:s19+$0xED0] =	vst v28;
	v17 =	vadd.s32 $0x140, v26;
	v26 =	vadd.s32 $0x80, v18;
	v27 =	vadd.f32 v32, v24;
	v24 =	vld.idx.msk [tilespmem:v63+s12+$0x0], $0xffff  }
.LBB2_6:
0xc5: {  	s28 =	sadd.s32 $0xFFFFFFF0, s26;
	s29 =	sand.u32 $0x70, s26;
	s22 =	sadd.s32 $0x80, s22;
	[tilespmem:s18+$0x1650] =	vst v19;
	v19 =	vld [tilespmem:s24+$0x810]  }
0xc6: {  	s24 =	sand.u32 $0x600, s22;
	s28 =	sand.u32 $0x60, s28;
	v21 =	vadd.f32 v21, v27;
	v27 =	vadd.s32 $0x140, v10;
	v20 =	vld.idx.msk [tilespmem:v20+s9+$0x0], $0xffff  }
0xc7: {  	v10 =	vadd.f32 v25, v7;
	s30 =	sor.u32 s28, s24;
	s28 =	sor.u32 s24, s29;
	v25 =	vld.idx.msk [tilespmem:v13+s9+$0x0], $0xffff  }
0xc8: {  	s25 =	sadd.s32 $0x2, s25;
	v18 =	vld [tilespmem:s30+$0x0];
	[tilespmem:s20+$0xE50] =	vst v21;
	v21 =	vadd.s32 $0x200, v9  }
0xc9: {  	p0 =	slt.u32 s25, $0x1E;
	v9 =	vadd.f32 v23, v10;
	v26 =	vld.idx.msk [tilespmem:v26+s12+$0x0], $0xffff  }
0xca: {  	v23 =	vadd.s32 $0x2C0, v11;
	v10 =	vld [tilespmem:s30+$0x80];
	v13 =	vadd.s32 $0x31, v19;
	v28 =	vadd.s32 $0x62, v19  }
0xcb: {  	v11 =	vadd.f32 v22, v9;
	v27 =	vld.idx.msk [tilespmem:v27+s12+$0x0], $0xffff  }
0xcc: {  	v9 =	vld [tilespmem:s30+$0x100];
	[tilespmem:s18+$0x16D0] =	vst v20;
	s18 =	smov.u32 s20;
	s20 =	smov.u32 s30  }
0xcd: {  	v20 =	vld.idx.msk [tilespmem:v21+s12+$0x0], $0xffff;
	v21 =	vadd.f32 v24, v11;
	[tilespmem:s17+$0x1650] =	vst v25  }
0xce: {  	v11 =	vld [tilespmem:s20+$0x180]  }
0xcf: {  	v22 =	vadd.f32 v26, v8;
	v23 =	vld.idx.msk [tilespmem:v23+s12+$0x0], $0xffff;
	[tilespmem:s21+$0xE50] =	vst v21  }
0xd0: {  	v21 =	vadd.s32 $0xC0, v10;
	v24 =	vld [tilespmem:s28+$0x0]  }
0xd1: {  	v22 =	vadd.f32 v27, v22;
	v25 =	vld [tilespmem:s28+$0x80]  }
0xd2: {  	v26 =	vadd.s32 $0x180, v9;
	v27 =	vld [tilespmem:s28+$0x100]  }
0xd3: {  	v20 =	vadd.f32 v20, v22;
	v29 =	vld.idx.msk [tilespmem:v18+s12+$0x0], $0xffff  }
0xd4: {  	v22 =	vadd.s32 $0x240, v11;
	v30 =	vld [tilespmem:s28+$0x180]  }
0xd5: {  	v20 =	vadd.f32 v23, v20;
	v21 =	vld.idx.msk [tilespmem:v21+s12+$0x0], $0xffff;
	v31 =	vadd.s32 $0x40, v24;
	v32 =	vadd.s32 $0x80, v24  }
0xd6: {  	v23 =	vadd.s32 $0xC0, v25;
	v33 =	vadd.s32 $0x100, v25;
	v25 =	vadd.s32 $0x140, v25;
	v34 =	vld.idx.msk [tilespmem:v16+s12+$0x0], $0xffff;
	v16 =	vmovc v32  }
0xd7: {  	s24 =	sshra.s32 s23, $0x2;
	s23 =	smov.u32 s22;
	v26 =	vld.idx.msk [tilespmem:v26+s12+$0x0], $0xffff;
	v32 =	vadd.s32 $0x180, v27;
	v35 =	vadd.s32 $0x1C0, v27;
	v27 =	vadd.s32 $0x200, v27;
	[tilespmem:s18+$0xED0] =	vst v20  }
0xd8: {  	v20 =	vld [tilespmem:s24+$0x800]  }
0xd9: {  	v29 =	vadd.f32 v29, v6;
	v22 =	vld.idx.msk [tilespmem:v22+s12+$0x0], $0xffff;
	v36 =	vadd.s32 $0x240, v30;
	v37 =	vadd.s32 $0x280, v30  }
0xda: {  	v30 =	vadd.s32 $0x2C0, v30;
	v24 =	vld.idx.msk [tilespmem:v24+s12+$0x0], $0xffff  }
0xdb: {  	v21 =	vadd.f32 v21, v29;
	v23 =	vld.idx.msk [tilespmem:v23+s12+$0x0], $0xffff  }
0xdc: {  	v29 =	vld.idx.msk [tilespmem:v32+s12+$0x0], $0xffff;
	v32 =	vadd.f32 v34, v8  }
0xdd: {  	v21 =	vadd.f32 v26, v21;
	v26 =	vadd.s32 $0x40, v18;
	v34 =	vld.idx.msk [tilespmem:v17+s12+$0x0], $0xffff;
	v17 =	vmov v25  }
0xde: {  	v25 =	vld.idx.msk [tilespmem:v36+s12+$0x0], $0xffff  }
0xdf: {  	v21 =	vadd.f32 v22, v21;
	v22 =	vadd.s32 $0x100, v10;
	v36 =	vld.idx.msk [tilespmem:v15+s12+$0x0], $0xffff;
	v15 =	vmov v27  }
0xe0: {  	v24 =	vadd.f32 v24, v6;
	v27 =	vld.idx.msk [tilespmem:v20+s9+$0x0], $0xffff  }
0xe1: {  	[tilespmem:s20+$0xDD0] =	vst v21;
	v21 =	vadd.s32 $0x1C0, v9;
	v38 =	vld.idx.msk [tilespmem:v14+s12+$0x0], $0xffff;
	v14 =	vmov v30  }
0xe2: {  	v23 =	vadd.f32 v23, v24;
	v24 =	vadd.s32 $0x31, v20;
	v26 =	vld.idx.msk [tilespmem:v26+s12+$0x0], $0xffff  }
0xe3: {  	v30 =	vadd.s32 $0x280, v11;
	v32 =	vadd.f32 v34, v32;
	v34 =	vld.idx.msk [tilespmem:v19+s9+$0x0], $0xffff  }
0xe4: {  	v19 =	vadd.f32 v29, v23;
	v22 =	vld.idx.msk [tilespmem:v22+s12+$0x0], $0xffff  }
0xe5: {  	v23 =	vadd.f32 v36, v32;
	v29 =	vld.idx.msk [tilespmem:v12+s9+$0x0], $0xffff;
	v12 =	vmov v28  }
0xe6: {  	v25 =	vadd.f32 v25, v19;
	v28 =	vld.idx.msk [tilespmem:v21+s12+$0x0], $0xffff;
	[tilespmem:s18+$0x15D0] =	vst v27  }
0xe7: {  	v23 =	vadd.f32 v38, v23;
	v19 =	vld.idx.msk [tilespmem:v24+s9+$0x0], $0xffff  }
.Ltmp2:
0xe8: {  	v24 =	vadd.f32 v26, v7;
	v21 =	vld.idx.msk [tilespmem:v30+s12+$0x0], $0xffff;
	[tilespmem:s28+$0xDD0] =	vst v25;
	(pc) =	sbr.rel @p0 .LBB2_6-.Ltmp2, $4  }
0xe9: {  	v20 =	vadd.s32 $0x62, v20;
	v25 =	vld.idx.msk [tilespmem:v31+s12+$0x0], $0xffff;
	[tilespmem:s21+$0xED0] =	vst v23  }
0xea: {  	v24 =	vadd.f32 v22, v24;
	v23 =	vld.idx.msk [tilespmem:v33+s12+$0x0], $0xffff;
	[tilespmem:s19+$0x15D0] =	vst v34  }
0xeb: {  	v22 =	vld.idx.msk [tilespmem:v35+s12+$0x0], $0xffff;
	[tilespmem:s17+$0x16D0] =	vst v29;
	s17 =	smov.u32 s19;
	s19 =	smov.u32 s21;
	s21 =	smov.u32 s28  }
0xec: {  	s26 =	sadd.s32 $0x20, s26;
	v26 =	vadd.s32 $0x80, v18;
	v27 =	vadd.f32 v28, v24;
	v24 =	vld.idx.msk [tilespmem:v37+s12+$0x0], $0xffff  }
0xed: {  	_ = 	snop  }
0xee: {  	v6 =	vadd.f32 v25, v7;
	_ =	sdelay $0x1  }
0xef: {  	v6 =	vadd.f32 v23, v6;
	_ =	sdelay $0x1  }
0xf0: {  	v6 =	vadd.f32 v22, v6  }
0xf1: {  	v7 =	vadd.s32 $0x140, v10;
	v51 =	vadd.f32 v21, v27  }
0xf2: {  	v6 =	vadd.f32 v24, v6  }
0xf3: {  	v9 =	vadd.s32 $0x200, v9;
	[tilespmem:s20+$0xE50] =	vst v51  }
0xf4: {  	v10 =	vld.idx.msk [tilespmem:v26+s12+$0x0], $0xffff;
	[tilespmem:s21+$0xE50] =	vst v6  }
0xf5: {  	v11 =	vadd.s32 $0x2C0, v11;
	v6 =	vld.idx.msk [tilespmem:v16+s12+$0x0], $0xffff  }
0xf6: {  	v7 =	vld.idx.msk [tilespmem:v7+s12+$0x0], $0xffff  }
0xf7: {  	v52 =	vld.idx.msk [tilespmem:v17+s12+$0x0], $0xffff  }
0xf8: {  	v9 =	vld.idx.msk [tilespmem:v9+s12+$0x0], $0xffff  }
0xf9: {  	v10 =	vadd.f32 v10, v8;
	v15 =	vld.idx.msk [tilespmem:v15+s12+$0x0], $0xffff  }
0xfa: {  	v11 =	vld.idx.msk [tilespmem:v11+s12+$0x0], $0xffff;
	v6 =	vadd.f32 v6, v8  }
0xfb: {  	v53 =	vld.idx.msk [tilespmem:v14+s12+$0x0], $0xffff;
	v7 =	vadd.f32 v7, v10  }
0xfc: {  	v6 =	vadd.f32 v52, v6  }
0xfd: {  	v7 =	vadd.f32 v9, v7  }
0xfe: {  	v6 =	vadd.f32 v15, v6  }
0xff: {  	v7 =	vadd.f32 v11, v7  }
0x100: {  	v6 =	vadd.f32 v53, v6  }
0x101: {  	s22 =	sshra.s32 s23, $0x2;
	v54 =	vld [tilespmem:s24+$0x810];
	[tilespmem:s20+$0xED0] =	vst v7  }
0x102: {  	v7 =	vld [tilespmem:s22+$0x800];
	[tilespmem:s21+$0xED0] =	vst v6  }
0x103: {  	v6 =	vld [tilespmem:s22+$0x810];
	_ =	sdelay $0x5  }
0x104: {  	v57 =	vld.idx.msk [tilespmem:v54+s9+$0x0], $0xffff  }
0x105: {  	v58 =	vadd.s32 $0x31, v54;
	v55 =	vld.idx.msk [tilespmem:v7+s9+$0x0], $0xffff  }
0x106: {  	v56 =	vadd.s32 $0x31, v7;
	v59 =	vld.idx.msk [tilespmem:v6+s9+$0x0], $0xffff  }
0x107: {  	v60 =	vadd.s32 $0x31, v6;
	_ =	sdelay $0x1  }
0x108: {  	v13 =	vld.idx.msk [tilespmem:v13+s9+$0x0], $0xffff;
	[tilespmem:s19+$0x15D0] =	vst v57  }
0x109: {  	v61 =	vld.idx.msk [tilespmem:v58+s9+$0x0], $0xffff;
	[tilespmem:s20+$0x15D0] =	vst v55  }
0x10a: {  	v8 =	vadd.s32 $0x62, v54;
	v9 =	vld.idx.msk [tilespmem:v56+s9+$0x0], $0xffff;
	[tilespmem:s21+$0x15D0] =	vst v59  }
0x10b: {  	v7 =	vadd.s32 $0x62, v7;
	v62 =	vld.idx.msk [tilespmem:v60+s9+$0x0], $0xffff  }
0x10c: {  	[tilespmem:s18+$0x1650] =	vst v19;
	v6 =	vadd.s32 $0x62, v6  }
0x10d: {  	v63 =	vld.idx.msk [tilespmem:v20+s9+$0x0], $0xffff;
	[tilespmem:s17+$0x1650] =	vst v13  }
0x10e: {  	v12 =	vld.idx.msk [tilespmem:v12+s9+$0x0], $0xffff;
	[tilespmem:s19+$0x1650] =	vst v61  }
0x10f: {  	v8 =	vld.idx.msk [tilespmem:v8+s9+$0x0], $0xffff;
	[tilespmem:s20+$0x1650] =	vst v9  }
0x110: {  	v7 =	vld.idx.msk [tilespmem:v7+s9+$0x0], $0xffff;
	[tilespmem:s21+$0x1650] =	vst v62  }
0x111: {  	v6 =	vld.idx.msk [tilespmem:v6+s9+$0x0], $0xffff  }
0x112: {  	[tilespmem:s18+$0x16D0] =	vst v63  }
0x113: {  	[tilespmem:s17+$0x16D0] =	vst v12  }
0x114: {  	[tilespmem:s19+$0x16D0] =	vst v8  }
0x115: {  	[tilespmem:s20+$0x16D0] =	vst v7  }
0x116: {  	[tilespmem:s21+$0x16D0] =	vst v6  }
0x117: {  	[hbm4b:s6+s2] =	stream.linear.scatter [tilespmem:s13], [sflag:$0x2], $0x800, $0x38;
	[tilespmem:$0x1DD0] =	vst v63  }
0x118: {  	s16 =	sadd.s32 $0x1, s16  }
0x119: {  	[hbm4b:s7+s2] =	stream.linear.scatter [tilespmem:s14], [sflag:$0x2], $0x800, $0x38;
	[tilespmem:$0x1DD0] =	vst v63  }
0x11a: {  	p0 =	sne.s32 s16, s8;
	_ =	swait.ge [sflag:s15], $0x800  }
.Ltmp3:
0x11b: {  	[sflag:s15] =	ssyncset.done $0x0;
	(pc) =	sbr.rel @p0 .LBB2_1-.Ltmp3, $4  }
0x11c: {  	[sflag:s15] =	ssyncadd.s32 $0xFFFFF800  }
0x11d: {  	_ =	swait.ge [sflag:s15], $0x800  }
0x11e: {  	[sflag:s15] =	ssyncset.done $0x0  }
0x11f: {  	[sflag:s15] =	ssyncadd.s32 $0xFFFFF800  }
0x120: {  	_ =	sfence.sel $0x180000  }
0x121: {  	[bflag:$0x0] =	sbarrier.arrive $0xFFFF  }
0x122: {  	p0 =	sne.s32 s1, $0x0;
	_ =	strace $0x90000047  }
0x123: {  	s0 =	sadd.s32 @!p0 $0x100000, s0;
	[bflag:$0x2] =	sbarrier.arrive $0xFFFF  }
0x124: {  	[sflag:s0] =	ssyncadd.tile.s32 @!p0 $0x1;
	_ =	shalt  }
.Lfunc_end2:
_tile_overlayer_lowered:
.L_overlay_start_2:
0x125: {  	(tag) =	ssettag $0x2  }
0x126: {  	s0 =	rddreg [dreg:$0x0];
	s2 =	stileid.u32  }
0x127: {  	s1 =	rddreg [dreg:$0x1];
	p0 =	sne.s32 s2, $0x0  }
0x128: {  	s3 =	rddreg [dreg:$0x2];
	[bflag:$0x3] =	sbarrier.arrive $0xFFFF;
	s2 =	simm.s32 @!p0 $0x1C03  }
0x129: {  	[timem:s3], [sflag:s2] =	dma.local @!p0 [hbm:s0], s1  }
0x12a: {  	s0 =	simm.s32 @!p0 $0x3  }
0x12b: {  	_ =	swait.ge @!p0 [sflag:s0], s1  }
0x12c: {  	s1 =	ssub.s32 @!p0 $0x0, s1;
	[sflag:s0] =	ssyncset.done @!p0 $0x0  }
0x12d: {  	[sflag:s0] =	ssyncadd.s32 @!p0 s1  }
0x12e: {  	[bflag:$0x3] =	sbarrier.arrive $0xFFFF  }
0x12f: {  	_ =	shalt  }

</sc_bundles>
